<compile_context>
chip_gen: v7x
topology: tpu7x:2x2x1
jax: 0.10.2.dev20260603
libtpu: 0.0.44.dev20260713+nightly
codegen_flags: <defaults>
</compile_context>

<pallas_src>
import functools

import jax
import jax.numpy as jnp
import numpy as np
from jax import lax
from jax.experimental import pallas as pl
from jax.experimental.pallas import tpu as pltpu
from jax.experimental.pallas import tpu_sc as plsc

_B, _H, _W, _C = 4, 512, 512, 32
_HW = _H * _W
_K = 1000
_KPAD = 1024
_NBIN = 12
_THRESH = 0.2


def _mask_kernel(d_ref, out_ref, scratch):
    d = d_ref[0]
    ed = jnp.exp(-jnp.abs(d))
    h = jnp.where(d >= 0.0, 1.0 / (ed + 1.0), ed / (1.0 + ed))
    scratch[...] = jnp.full((528, 768), -jnp.inf, jnp.float32)
    scratch[pl.ds(8, _H), pl.ds(128, _W)] = h
    pool = jnp.full((_H, _W), -jnp.inf, jnp.float32)
    for di in (7, 8, 9):
        for dj in (127, 128, 129):
            pool = jnp.maximum(pool, scratch[pl.ds(di, _H), pl.ds(dj, _W)])
    keep = jnp.logical_and(h > _THRESH, h == pool)
    out_ref[0] = jnp.where(keep, h, 0.0)


def _mask_call(d):
    return pl.pallas_call(
        _mask_kernel,
        grid=(_B,),
        in_specs=[
            pl.BlockSpec((1, _H, _W), lambda b: (b, 0, 0)),
        ],
        out_specs=pl.BlockSpec((1, _H, _W), lambda b: (b, 0, 0)),
        out_shape=jax.ShapeDtypeStruct((_B, _H, _W), jnp.float32),
        scratch_shapes=[pltpu.VMEM((528, 768), jnp.float32)],
        interpret=False,
    )(d)


def _decode_kernel(rows_ref, idx_ref, out_ref):
    n = _B * _KPAD
    rows128 = rows_ref[...]
    idxf = idx_ref[...]
    sub = idxf - jnp.floor(idxf * 0.25) * 4.0
    rows = jnp.zeros((n, _C), jnp.float32)
    for m in range(4):
        rows = rows + jnp.where(sub == m, rows128[:, m * _C:(m + 1) * _C], 0.0)
    col = lax.broadcasted_iota(jnp.int32, (n, _C), 1)
    colf = col.astype(jnp.float32)
    angle = 2.0 * np.pi / _NBIN

    def sel(c):
        return jnp.sum(jnp.where(col == c, rows, 0.0), axis=1, keepdims=True)

    binm = jnp.logical_and(col >= 5, col <= 16)
    bmax = jnp.max(jnp.where(binm, rows, -jnp.inf), axis=1, keepdims=True)
    bidx = jnp.min(
        jnp.where(jnp.logical_and(binm, rows == bmax), colf - 5.0, 1e9),
        axis=1, keepdims=True)
    res = jnp.sum(
        jnp.where(jnp.logical_and(col >= 17, colf - 17.0 == bidx), rows, 0.0),
        axis=1, keepdims=True)
    heading = jnp.mod(bidx * angle + res * (angle * 0.5), 2.0 * np.pi)
    heading = jnp.where(heading > np.pi, heading - 2.0 * np.pi, heading)

    sl = sel(29) * 4.7 + 4.7
    sw = sel(30) * 2.1 + 2.1
    sh = sel(31) * 1.7 + 1.7
    ix = jnp.floor(idxf / 512.0)
    iy = idxf - ix * 512.0
    cx = (-81.92 + (ix + 0.5) * 0.32) + sel(2)
    cy = (-81.92 + (iy + 0.5) * 0.32) + sel(3)
    cz = sel(4)

    ocol = lax.broadcasted_iota(jnp.int32, (n, 8), 1)
    out = jnp.zeros((n, 8), jnp.float32)
    for c, v in enumerate((cx, cy, cz, sl, sw, sh, heading)):
        out = out + jnp.where(ocol == c, v, 0.0)
    out_ref[...] = out


def _decode_call(rows, idxf):
    return pl.pallas_call(
        _decode_kernel,
        out_shape=jax.ShapeDtypeStruct((_B * _KPAD, 8), jnp.float32),
        interpret=False,
    )(rows, idxf)


def _sc_gather(table, gidx):
    info = plsc.get_sparse_core_info()
    nc, ns = info.num_cores, info.num_subcores
    nw = nc * ns
    bpw = (_B * _KPAD) // nw
    mesh = plsc.VectorSubcoreMesh(core_axis_name="c", subcore_axis_name="s")

    @functools.partial(
        pl.kernel, mesh=mesh,
        out_type=jax.ShapeDtypeStruct((_B * _KPAD, 128), jnp.float32),
        scratch_types=[
            pltpu.VMEM((bpw,), jnp.int32),
            pltpu.VMEM((bpw, 128), jnp.float32),
            pltpu.SemaphoreType.DMA,
        ],
    )
    def gk(table_hbm, idx_hbm, out_hbm, idx_v, rows_v, sem):
        wid = lax.axis_index("s") * nc + lax.axis_index("c")
        base = wid * bpw
        pltpu.sync_copy(idx_hbm.at[pl.ds(base, bpw)], idx_v)
        pltpu.async_copy(table_hbm.at[idx_v], rows_v, sem).wait()
        pltpu.sync_copy(rows_v, out_hbm.at[pl.ds(base, bpw)])

    return gk(table, gidx)


def kernel(prediction):
    d = prediction[..., 1] - prediction[..., 0]
    s = _mask_call(d)
    nc4 = 16
    v1, i1 = lax.top_k(s.reshape(_B * nc4, _HW // nc4), _K)
    gi = (i1.reshape(_B, nc4, _K)
          + (jnp.arange(nc4, dtype=jnp.int32) * (_HW // nc4))[None, :, None]
          ).reshape(_B, nc4 * _K)
    vals, pos = lax.top_k(v1.reshape(_B, nc4 * _K), _K)
    top_idx = jnp.take_along_axis(gi, pos, axis=1)
    pad_idx = jnp.pad(top_idx, ((0, 0), (0, _KPAD - _K)))
    gidx = (pad_idx
            + (jnp.arange(_B, dtype=jnp.int32) * _HW)[:, None]).reshape(-1)
    gsup = gidx // 4
    table = prediction.reshape((_B * _HW) // 4, _C * 4)
    rows = _sc_gather(table, gsup)
    idxf = pad_idx.astype(jnp.float32).reshape(_B * _KPAD, 1)
    boxes = _decode_call(rows, idxf)
    box_decoded = boxes.reshape(_B, _KPAD, 8)[:, :_K, :7]
    box_class = jnp.full((_B, _K), 1, jnp.int32)
    return box_decoded, box_class, vals

# --- scband reference (transcript-rebuilt; emitter-appended) ---
"""Pipeline reference for scband-heatmap-decoder-3719441679031 (READ-ONLY COPY).

The authoritative reference and input builder live on the scoring server;
editing this copy changes nothing except your own understanding.
"""

import jax
import jax.numpy as jnp
import numpy as np
from jax import lax

CLASS_ID = 1
NUM_HEAD_BIN = 12
ANCHOR_SIZE = (4.7, 2.1, 1.7)
MAX_POOL_SIZE = 3
MAX_NUM_BOX = 1000
HEATMAP_THRESHOLD = 0.2
VOXEL_SIZE = (0.32, 0.32, 6.0)
SPATIAL_SIZE = (-81.92, 81.92, -81.92, 81.92, -3.0, 3.0)


def setup_inputs(seed: int = 0) -> dict:
    key = jax.random.key(seed)
    prediction = jax.random.normal(key, (4, 512, 512, 32), dtype=jnp.float32)
    return {"prediction": prediction}


def decode_bin_heading(predictions, num_bin):
    bin_idx = jnp.argmax(predictions[:, 0:num_bin], axis=-1).astype(jnp.int32)
    bin_idx_float = bin_idx.astype(predictions.dtype)
    residual_norm = jnp.take_along_axis(
        predictions[:, num_bin:num_bin * 2], bin_idx[:, None], axis=-1)[:, 0]
    angle_per_class = 2.0 * np.pi / num_bin
    residual_angle = residual_norm * (angle_per_class / 2.0)
    heading = jnp.mod(bin_idx_float * angle_per_class + residual_angle, 2.0 * np.pi)
    heading = jnp.where(heading > np.pi, heading - 2.0 * np.pi, heading)
    return heading


def decode_bin_box(pd, num_head_bin, anchor_size):
    delta = [pd[:, 0], pd[:, 1], pd[:, 2]]
    start = 3
    heading = decode_bin_heading(pd[:, start:], num_head_bin)
    start = start + num_head_bin * 2
    size_res_norm = pd[:, start:start + 3]
    anchor = jnp.asarray(anchor_size, dtype=pd.dtype)
    lwh = size_res_norm * anchor + anchor
    loc = jnp.stack(delta, axis=-1)
    box = jnp.concatenate([loc, lwh, heading[:, None]], axis=-1)
    return box


def compute_feature_map_ref_xyz(voxel_size, spatial_size, global_xyz):
    vx, vy, vz = voxel_size
    x_min, x_max, y_min, y_max, z_min, z_max = spatial_size
    nx = int(round((x_max - x_min) / vx))
    ny = int(round((y_max - y_min) / vy))
    xs = x_min + (jnp.arange(nx, dtype=global_xyz.dtype) + 0.5) * vx
    ys = y_min + (jnp.arange(ny, dtype=global_xyz.dtype) + 0.5) * vy
    gx, gy = jnp.meshgrid(xs, ys, indexing='ij')
    gz = jnp.full_like(gx, (z_min + z_max) * 0.5)
    ref = jnp.stack([gx, gy, gz], axis=-1)
    b = global_xyz.shape[0]
    ref = jnp.broadcast_to(ref[None], (b, nx, ny, 3)) + global_xyz[:, None, None, :]
    return ref[:, :, :, None, :]


def reference(prediction):
    heatmap = jax.nn.softmax(prediction[..., :2], axis=-1)[..., 1:2]
    heatmap_pool = lax.reduce_window(
        heatmap, -jnp.inf, lax.max,
        (1, MAX_POOL_SIZE, MAX_POOL_SIZE, 1), (1, 1, 1, 1), 'SAME')
    heatmap_mask = heatmap > HEATMAP_THRESHOLD
    heatmap_local_maxima_mask = jnp.equal(heatmap, heatmap_pool)
    heatmap_mask = jnp.logical_and(heatmap_mask, heatmap_local_maxima_mask)
    heatmap = jnp.where(heatmap_mask, heatmap, 0.0)
    heatmap = heatmap[..., 0]
    b, h, w = heatmap.shape
    heatmap = heatmap.reshape(b, h * w)
    _, top_index = lax.top_k(heatmap, MAX_NUM_BOX)
    box_prediction = prediction[:, :, :, 2:]
    f = box_prediction.shape[-1]
    box_prediction = box_prediction.reshape(b, h * w, f)
    box_prediction = jnp.take_along_axis(box_prediction, top_index[:, :, None], axis=1)
    box_score = jnp.take_along_axis(heatmap, top_index, axis=1)
    box_class = jnp.ones_like(box_score, dtype=jnp.int32) * CLASS_ID
    box_prediction_reshape = box_prediction.reshape(b * MAX_NUM_BOX, f)
    box_decoded = decode_bin_box(box_prediction_reshape, NUM_HEAD_BIN, ANCHOR_SIZE)
    box_decoded = box_decoded.reshape(b, MAX_NUM_BOX, 7)
    global_xyz = jnp.zeros((b, 3), dtype=box_decoded.dtype)
    ref_xyz = compute_feature_map_ref_xyz(VOXEL_SIZE, SPATIAL_SIZE, global_xyz)
    ref_xyz = ref_xyz[:, :, :, 0, :]
    ref_xyz = ref_xyz.reshape(b, h * w, 3)
    ref_xyz = jnp.take_along_axis(ref_xyz, top_index[:, :, None], axis=1)
    box_decoded_cxyz = ref_xyz + box_decoded[:, :, :3]
    box_decoded = jnp.concatenate([box_decoded_cxyz, box_decoded[:, :, 3:]], axis=-1)
    return (box_decoded, box_class, box_score)

if __name__ == "__main__":
    import jax
    _d = setup_inputs()
    print(jax.jit(kernel)(*tuple(_d.values())))

</pallas_src>

<mosaic_0001>
#map = affine_map<(d0, d1) -> (0, 0)>
#map1 = affine_map<(d0, d1) -> (0)>
module attributes {stable_mosaic.version = 14 : i64} {
  func.func @gk(%arg0: i32, %arg1: i32, %arg2: memref<262144x128xf32, #tpu.memory_space<hbm>>, %arg3: memref<4096xi32, #tpu.memory_space<hbm>>, %arg4: memref<4096x128xf32, #tpu.memory_space<hbm>>, %arg5: memref<128xi32, #tpu.memory_space<vmem>>, %arg6: memref<128x128xf32, #tpu.memory_space<vmem>>, %arg7: memref<!tpu.dma_semaphore, #tpu.memory_space<semaphore_mem>>) attributes {dimension_semantics = [#tpu.dimension_semantics<core_parallel>, #tpu.dimension_semantics<subcore_parallel>], iteration_bounds = array<i64: 2, 16>, scalar_prefetch = 0 : i64, scratch_operands = 3 : i64, tpu.core_type = #tpu.core_type<sc_vector_subcore>, window_params = [{transform_indices = #map}, {transform_indices = #map1}, {transform_indices = #map}]} {
    %mul3A = arith.constant 2 : i32
    %mul3A_0 = arith.muli %arg1, %mul3A : i32
    %add3A = arith.addi %mul3A_0, %arg0 : i32
    %mul3A_1 = arith.constant 128 : i32
    %mul3A_2 = arith.muli %add3A, %mul3A_1 : i32
    "tpu.region"() ({
      %run_scoped3A = tpu.sem_alloc : memref<!tpu.dma_semaphore, #tpu.memory_space<semaphore_mem>>
      %dma_start3A_7 = tpu.memref_slice %arg3[%mul3A_2] : memref<4096xi32, #tpu.memory_space<hbm>> -> memref<128xi32, #tpu.memory_space<hbm>>
      %dma_start3A_8 = tpu.memref_slice %arg3[%mul3A_2] : memref<4096xi32, #tpu.memory_space<hbm>> -> memref<128xi32, #tpu.memory_space<hbm>>
      tpu.enqueue_dma source(%dma_start3A_8 : memref<128xi32, #tpu.memory_space<hbm>>) target(%arg5 : memref<128xi32, #tpu.memory_space<vmem>>) target_semaphore(%run_scoped3A : memref<!tpu.dma_semaphore, #tpu.memory_space<semaphore_mem>>)
      %dma_wait3A_9 = tpu.memref_slice %arg3[%mul3A_2] : memref<4096xi32, #tpu.memory_space<hbm>> -> memref<128xi32, #tpu.memory_space<hbm>>
      %dma_wait3A_10 = tpu.memref_slice %arg3[%mul3A_2] : memref<4096xi32, #tpu.memory_space<hbm>> -> memref<128xi32, #tpu.memory_space<hbm>>
      tpu.wait_dma2 semaphore(%run_scoped3A : memref<!tpu.dma_semaphore, #tpu.memory_space<semaphore_mem>>) src(%dma_wait3A_10 : memref<128xi32, #tpu.memory_space<hbm>>) dst(%arg5 : memref<128xi32, #tpu.memory_space<vmem>>)
      tpu.yield
    }) : () -> ()
    %dma_start3A = arith.constant 0 : i32
    %dma_start3A_3 = arith.constant 0 : i32
    %dma_start3A_4 = tpu.memref_slice %arg2[%dma_start3A, %dma_start3A_3] : memref<262144x128xf32, #tpu.memory_space<hbm>> -> memref<262144x128xf32, #tpu.memory_space<hbm>>
    tpu.enqueue_indirect_dma source(%dma_start3A_4 : memref<262144x128xf32, #tpu.memory_space<hbm>>) target(%arg6 : memref<128x128xf32, #tpu.memory_space<vmem>>) offsets(%arg5 : memref<128xi32, #tpu.memory_space<vmem>>) semaphore(%arg7 : memref<!tpu.dma_semaphore, #tpu.memory_space<semaphore_mem>>)
    %dma_wait3A = arith.constant 0 : i32
    %dma_wait3A_5 = arith.constant 0 : i32
    %dma_wait3A_6 = tpu.memref_slice %arg2[%dma_wait3A, %dma_wait3A_5] : memref<262144x128xf32, #tpu.memory_space<hbm>> -> memref<262144x128xf32, #tpu.memory_space<hbm>>
    tpu.wait_indirect_dma semaphore(%arg7 : memref<!tpu.dma_semaphore, #tpu.memory_space<semaphore_mem>>) src(%dma_wait3A_6 : memref<262144x128xf32, #tpu.memory_space<hbm>>) dst(%arg6 : memref<128x128xf32, #tpu.memory_space<vmem>>)
    "tpu.region"() ({
      %run_scoped3A = tpu.sem_alloc : memref<!tpu.dma_semaphore, #tpu.memory_space<semaphore_mem>>
      %dma_start3A_7 = arith.constant 0 : i32
      %dma_start3A_8 = tpu.memref_slice %arg4[%mul3A_2, %dma_start3A_7] : memref<4096x128xf32, #tpu.memory_space<hbm>> -> memref<128x128xf32, #tpu.memory_space<hbm>>
      %dma_start3A_9 = arith.constant 0 : i32
      %dma_start3A_10 = tpu.memref_slice %arg4[%mul3A_2, %dma_start3A_9] : memref<4096x128xf32, #tpu.memory_space<hbm>> -> memref<128x128xf32, #tpu.memory_space<hbm>>
      tpu.enqueue_dma source(%arg6 : memref<128x128xf32, #tpu.memory_space<vmem>>) target(%dma_start3A_10 : memref<128x128xf32, #tpu.memory_space<hbm>>) target_semaphore(%run_scoped3A : memref<!tpu.dma_semaphore, #tpu.memory_space<semaphore_mem>>)
      %dma_wait3A_11 = arith.constant 0 : i32
      %dma_wait3A_12 = tpu.memref_slice %arg4[%mul3A_2, %dma_wait3A_11] : memref<4096x128xf32, #tpu.memory_space<hbm>> -> memref<128x128xf32, #tpu.memory_space<hbm>>
      %dma_wait3A_13 = arith.constant 0 : i32
      %dma_wait3A_14 = tpu.memref_slice %arg4[%mul3A_2, %dma_wait3A_13] : memref<4096x128xf32, #tpu.memory_space<hbm>> -> memref<128x128xf32, #tpu.memory_space<hbm>>
      tpu.wait_dma2 semaphore(%run_scoped3A : memref<!tpu.dma_semaphore, #tpu.memory_space<semaphore_mem>>) src(%arg6 : memref<128x128xf32, #tpu.memory_space<vmem>>) dst(%dma_wait3A_14 : memref<128x128xf32, #tpu.memory_space<hbm>>)
      tpu.yield
    }) : () -> ()
    return
  }
}

module attributes {stable_mosaic.version = 14 : i64} {
  func.func @_mask_kernel(%arg0: i32, %arg1: memref<1x512x512xf32, #tpu.memory_space<vmem>>, %arg2: memref<1x512x512xf32, #tpu.memory_space<vmem>>, %arg3: memref<528x768xf32, #tpu.memory_space<vmem>>) attributes {dimension_semantics = [#tpu.dimension_semantics<arbitrary>], iteration_bounds = array<i64: 4>, scalar_prefetch = 0 : i64, scratch_operands = 1 : i64, tpu.core_type = #tpu.core_type<tc>, window_params = [{transform_indices = @transform_0, window_bounds = array<i64: 1, 512, 512>}, {transform_indices = @transform_1, window_bounds = array<i64: 1, 512, 512>}]} {
    %get3A = arith.constant 0 : index
    %get3A_0 = arith.constant 0 : index
    %get3A_1 = arith.constant 0 : index
    %get3A_2 = vector.load %arg1[%get3A, %get3A_0, %get3A_1] : memref<1x512x512xf32, #tpu.memory_space<vmem>>, vector<1x512x512xf32>
    %get3A_3 = vector.shape_cast %get3A_2 : vector<1x512x512xf32> to vector<512x512xf32>
    %abs3A = math.absf %get3A_3 : vector<512x512xf32>
    %neg3A = arith.constant 0.000000e+00 : f32
    %neg3A_4 = vector.broadcast %neg3A : f32 to vector<512x512xf32>
    %neg3A_5 = arith.subf %neg3A_4, %abs3A : vector<512x512xf32>
    %exp3A = math.exp %neg3A_5 : vector<512x512xf32>
    %ge3A = arith.constant 0.000000e+00 : f32
    %ge3A_6 = vector.broadcast %ge3A : f32 to vector<512x512xf32>
    %ge3A_7 = arith.cmpf oge, %get3A_3, %ge3A_6 : vector<512x512xf32>
    %add3A = arith.constant 1.000000e+00 : f32
    %add3A_8 = vector.broadcast %add3A : f32 to vector<512x512xf32>
    %add3A_9 = arith.addf %exp3A, %add3A_8 : vector<512x512xf32>
    %div3A = arith.constant 1.000000e+00 : f32
    %div3A_10 = vector.broadcast %div3A : f32 to vector<512x512xf32>
    %div3A_11 = arith.divf %div3A_10, %add3A_9 : vector<512x512xf32>
    %add3A_12 = arith.constant 1.000000e+00 : f32
    %add3A_13 = vector.broadcast %add3A_12 : f32 to vector<512x512xf32>
    %add3A_14 = arith.addf %add3A_13, %exp3A : vector<512x512xf32>
    %div3A_15 = arith.divf %exp3A, %add3A_14 : vector<512x512xf32>
    %select_n3A = arith.select %ge3A_7, %div3A_11, %div3A_15 : vector<512x512xi1>, vector<512x512xf32>
    %broadcast_in_dim3A = arith.constant 0xFF800000 : f32
    %broadcast_in_dim3A_16 = vector.broadcast %broadcast_in_dim3A : f32 to vector<528x768xf32>
    %swap3A = arith.constant 0 : index
    %swap3A_17 = arith.constant 0 : index
    %swap3A_18 = vector.load %arg3[%swap3A, %swap3A_17] : memref<528x768xf32, #tpu.memory_space<vmem>>, vector<528x768xf32>
    tpu.vector_store %arg3[%swap3A, %swap3A_17], %broadcast_in_dim3A_16 {strides = array<i32>} : memref<528x768xf32, #tpu.memory_space<vmem>>, vector<528x768xf32>,
    %swap3A_19 = arith.constant 8 : index
    %swap3A_20 = arith.constant 128 : index
    %swap3A_21 = vector.load %arg3[%swap3A_19, %swap3A_20] : memref<528x768xf32, #tpu.memory_space<vmem>>, vector<512x512xf32>
    tpu.vector_store %arg3[%swap3A_19, %swap3A_20], %select_n3A {strides = array<i32>} : memref<528x768xf32, #tpu.memory_space<vmem>>, vector<512x512xf32>,
    %broadcast_in_dim3A_22 = arith.constant 0xFF800000 : f32
    %broadcast_in_dim3A_23 = vector.broadcast %broadcast_in_dim3A_22 : f32 to vector<512x512xf32>
    %get3A_24 = arith.constant 7 : index
    %get3A_25 = arith.constant 127 : index
    %get3A_26 = vector.load %arg3[%get3A_24, %get3A_25] : memref<528x768xf32, #tpu.memory_space<vmem>>, vector<512x512xf32>
    %max3A = arith.maximumf %broadcast_in_dim3A_23, %get3A_26 : vector<512x512xf32>
    %get3A_27 = arith.constant 7 : index
    %get3A_28 = arith.constant 128 : index
    %get3A_29 = vector.load %arg3[%get3A_27, %get3A_28] : memref<528x768xf32, #tpu.memory_space<vmem>>, vector<512x512xf32>
    %max3A_30 = arith.maximumf %max3A, %get3A_29 : vector<512x512xf32>
    %get3A_31 = arith.constant 7 : index
    %get3A_32 = arith.constant 129 : index
    %get3A_33 = vector.load %arg3[%get3A_31, %get3A_32] : memref<528x768xf32, #tpu.memory_space<vmem>>, vector<512x512xf32>
    %max3A_34 = arith.maximumf %max3A_30, %get3A_33 : vector<512x512xf32>
    %get3A_35 = arith.constant 8 : index
    %get3A_36 = arith.constant 127 : index
    %get3A_37 = vector.load %arg3[%get3A_35, %get3A_36] : memref<528x768xf32, #tpu.memory_space<vmem>>, vector<512x512xf32>
    %max3A_38 = arith.maximumf %max3A_34, %get3A_37 : vector<512x512xf32>
    %get3A_39 = arith.constant 8 : index
    %get3A_40 = arith.constant 128 : index
    %get3A_41 = vector.load %arg3[%get3A_39, %get3A_40] : memref<528x768xf32, #tpu.memory_space<vmem>>, vector<512x512xf32>
    %max3A_42 = arith.maximumf %max3A_38, %get3A_41 : vector<512x512xf32>
    %get3A_43 = arith.constant 8 : index
    %get3A_44 = arith.constant 129 : index
    %get3A_45 = vector.load %arg3[%get3A_43, %get3A_44] : memref<528x768xf32, #tpu.memory_space<vmem>>, vector<512x512xf32>
    %max3A_46 = arith.maximumf %max3A_42, %get3A_45 : vector<512x512xf32>
    %get3A_47 = arith.constant 9 : index
    %get3A_48 = arith.constant 127 : index
    %get3A_49 = vector.load %arg3[%get3A_47, %get3A_48] : memref<528x768xf32, #tpu.memory_space<vmem>>, vector<512x512xf32>
    %max3A_50 = arith.maximumf %max3A_46, %get3A_49 : vector<512x512xf32>
    %get3A_51 = arith.constant 9 : index
    %get3A_52 = arith.constant 128 : index
    %get3A_53 = vector.load %arg3[%get3A_51, %get3A_52] : memref<528x768xf32, #tpu.memory_space<vmem>>, vector<512x512xf32>
    %max3A_54 = arith.maximumf %max3A_50, %get3A_53 : vector<512x512xf32>
    %get3A_55 = arith.constant 9 : index
    %get3A_56 = arith.constant 129 : index
    %get3A_57 = vector.load %arg3[%get3A_55, %get3A_56] : memref<528x768xf32, #tpu.memory_space<vmem>>, vector<512x512xf32>
    %max3A_58 = arith.maximumf %max3A_54, %get3A_57 : vector<512x512xf32>
    %gt3A = arith.constant 2.000000e-01 : f32
    %gt3A_59 = vector.broadcast %gt3A : f32 to vector<512x512xf32>
    %gt3A_60 = arith.cmpf ogt, %select_n3A, %gt3A_59 : vector<512x512xf32>
    %eq3A = arith.cmpf oeq, %select_n3A, %max3A_58 : vector<512x512xf32>
    %and3A = arith.andi %gt3A_60, %eq3A : vector<512x512xi1>
    %jit3A = arith.constant 0.000000e+00 : f32
    %broadcast_in_dim3A_61 = vector.broadcast %jit3A : f32 to vector<512x512xf32>
    %select_n3A_62 = arith.select %and3A, %select_n3A, %broadcast_in_dim3A_61 : vector<512x512xi1>, vector<512x512xf32>
    %swap3A_63 = arith.constant 0 : index
    %swap3A_64 = arith.constant 0 : index
    %swap3A_65 = arith.constant 0 : index
    %swap3A_66 = vector.load %arg2[%swap3A_63, %swap3A_64, %swap3A_65] : memref<1x512x512xf32, #tpu.memory_space<vmem>>, vector<1x512x512xf32>
    %swap3A_67 = vector.shape_cast %swap3A_66 : vector<1x512x512xf32> to vector<512x512xf32>
    %swap3A_68 = vector.shape_cast %select_n3A_62 : vector<512x512xf32> to vector<1x512x512xf32>
    tpu.vector_store %arg2[%swap3A_63, %swap3A_64, %swap3A_65], %swap3A_68 {strides = array<i32>} : memref<1x512x512xf32, #tpu.memory_space<vmem>>, vector<1x512x512xf32>,
    return
  }
  func.func @transform_0(%arg0: i32) -> (i32, i32, i32) {
    %c0_i32 = arith.constant 0 : i32
    %c0_i32_0 = arith.constant 0 : i32
    %c0_i32_1 = arith.constant 0 : i32
    return %arg0, %c0_i32, %c0_i32_0 : i32, i32, i32
  }
  func.func @transform_1(%arg0: i32) -> (i32, i32, i32) {
    %c0_i32 = arith.constant 0 : i32
    %c0_i32_0 = arith.constant 0 : i32
    %c0_i32_1 = arith.constant 0 : i32
    return %arg0, %c0_i32, %c0_i32_0 : i32, i32, i32
  }
}

module attributes {stable_mosaic.version = 14 : i64} {
  func.func @_decode_kernel(%arg0: memref<4096x128xf32, #tpu.memory_space<vmem>>, %arg1: memref<4096x1xf32, #tpu.memory_space<vmem>>, %arg2: memref<4096x8xf32, #tpu.memory_space<vmem>>) attributes {dimension_semantics = [], scalar_prefetch = 0 : i64, scratch_operands = 0 : i64, tpu.core_type = #tpu.core_type<tc>} {
    %get3A = arith.constant 0 : index
    %get3A_0 = arith.constant 0 : index
    %get3A_1 = vector.load %arg0[%get3A, %get3A_0] : memref<4096x128xf32, #tpu.memory_space<vmem>>, vector<4096x128xf32>
    %get3A_2 = arith.constant 0 : index
    %get3A_3 = arith.constant 0 : index
    %get3A_4 = vector.load %arg1[%get3A_2, %get3A_3] : memref<4096x1xf32, #tpu.memory_space<vmem>>, vector<4096x1xf32>
    %mul3A = arith.constant 2.500000e-01 : f32
    %mul3A_5 = vector.broadcast %mul3A : f32 to vector<4096x1xf32>
    %mul3A_6 = arith.mulf %get3A_4, %mul3A_5 : vector<4096x1xf32>
    %floor3A = math.floor %mul3A_6 : vector<4096x1xf32>
    %mul3A_7 = arith.constant 4.000000e+00 : f32
    %mul3A_8 = vector.broadcast %mul3A_7 : f32 to vector<4096x1xf32>
    %mul3A_9 = arith.mulf %floor3A, %mul3A_8 : vector<4096x1xf32>
    %sub3A = arith.subf %get3A_4, %mul3A_9 : vector<4096x1xf32>
    %broadcast_in_dim3A = arith.constant 0.000000e+00 : f32
    %broadcast_in_dim3A_10 = vector.broadcast %broadcast_in_dim3A : f32 to vector<4096x32xf32>
    %eq3A = arith.constant 0.000000e+00 : f32
    %eq3A_11 = vector.broadcast %eq3A : f32 to vector<4096x1xf32>
    %eq3A_12 = arith.cmpf oeq, %sub3A, %eq3A_11 : vector<4096x1xf32>
    %slice3A = vector.extract_strided_slice %get3A_1 {offsets = [0, 0], sizes = [4096, 32], strides = [1, 1]} : vector<4096x128xf32> to vector<4096x32xf32>
    %jit3A = arith.constant 0.000000e+00 : f32
    %broadcast_in_dim3A_13 = vector.shape_cast %eq3A_12 : vector<4096x1xi1> to vector<4096x1xi1>
    %broadcast_in_dim3A_14 = vector.broadcast %broadcast_in_dim3A_13 : vector<4096x1xi1> to vector<4096x32xi1>
    %broadcast_in_dim3A_15 = vector.broadcast %jit3A : f32 to vector<4096x32xf32>
    %select_n3A = arith.select %broadcast_in_dim3A_14, %slice3A, %broadcast_in_dim3A_15 : vector<4096x32xi1>, vector<4096x32xf32>
    %add3A = arith.addf %broadcast_in_dim3A_10, %select_n3A : vector<4096x32xf32>
    %eq3A_16 = arith.constant 1.000000e+00 : f32
    %eq3A_17 = vector.broadcast %eq3A_16 : f32 to vector<4096x1xf32>
    %eq3A_18 = arith.cmpf oeq, %sub3A, %eq3A_17 : vector<4096x1xf32>
    %slice3A_19 = vector.extract_strided_slice %get3A_1 {offsets = [0, 32], sizes = [4096, 32], strides = [1, 1]} : vector<4096x128xf32> to vector<4096x32xf32>
    %jit3A_20 = arith.constant 0.000000e+00 : f32
    %broadcast_in_dim3A_21 = vector.shape_cast %eq3A_18 : vector<4096x1xi1> to vector<4096x1xi1>
    %broadcast_in_dim3A_22 = vector.broadcast %broadcast_in_dim3A_21 : vector<4096x1xi1> to vector<4096x32xi1>
    %broadcast_in_dim3A_23 = vector.broadcast %jit3A_20 : f32 to vector<4096x32xf32>
    %select_n3A_24 = arith.select %broadcast_in_dim3A_22, %slice3A_19, %broadcast_in_dim3A_23 : vector<4096x32xi1>, vector<4096x32xf32>
    %add3A_25 = arith.addf %add3A, %select_n3A_24 : vector<4096x32xf32>
    %eq3A_26 = arith.constant 2.000000e+00 : f32
    %eq3A_27 = vector.broadcast %eq3A_26 : f32 to vector<4096x1xf32>
    %eq3A_28 = arith.cmpf oeq, %sub3A, %eq3A_27 : vector<4096x1xf32>
    %slice3A_29 = vector.extract_strided_slice %get3A_1 {offsets = [0, 64], sizes = [4096, 32], strides = [1, 1]} : vector<4096x128xf32> to vector<4096x32xf32>
    %jit3A_30 = arith.constant 0.000000e+00 : f32
    %broadcast_in_dim3A_31 = vector.shape_cast %eq3A_28 : vector<4096x1xi1> to vector<4096x1xi1>
    %broadcast_in_dim3A_32 = vector.broadcast %broadcast_in_dim3A_31 : vector<4096x1xi1> to vector<4096x32xi1>
    %broadcast_in_dim3A_33 = vector.broadcast %jit3A_30 : f32 to vector<4096x32xf32>
    %select_n3A_34 = arith.select %broadcast_in_dim3A_32, %slice3A_29, %broadcast_in_dim3A_33 : vector<4096x32xi1>, vector<4096x32xf32>
    %add3A_35 = arith.addf %add3A_25, %select_n3A_34 : vector<4096x32xf32>
    %eq3A_36 = arith.constant 3.000000e+00 : f32
    %eq3A_37 = vector.broadcast %eq3A_36 : f32 to vector<4096x1xf32>
    %eq3A_38 = arith.cmpf oeq, %sub3A, %eq3A_37 : vector<4096x1xf32>
    %slice3A_39 = vector.extract_strided_slice %get3A_1 {offsets = [0, 96], sizes = [4096, 32], strides = [1, 1]} : vector<4096x128xf32> to vector<4096x32xf32>
    %jit3A_40 = arith.constant 0.000000e+00 : f32
    %broadcast_in_dim3A_41 = vector.shape_cast %eq3A_38 : vector<4096x1xi1> to vector<4096x1xi1>
    %broadcast_in_dim3A_42 = vector.broadcast %broadcast_in_dim3A_41 : vector<4096x1xi1> to vector<4096x32xi1>
    %broadcast_in_dim3A_43 = vector.broadcast %jit3A_40 : f32 to vector<4096x32xf32>
    %select_n3A_44 = arith.select %broadcast_in_dim3A_42, %slice3A_39, %broadcast_in_dim3A_43 : vector<4096x32xi1>, vector<4096x32xf32>
    %add3A_45 = arith.addf %add3A_35, %select_n3A_44 : vector<4096x32xf32>
    %iota3A = tpu.iota {dimensions = array<i32: 1>} : vector<4096x32xi32>
    %convert_element_type3A = arith.sitofp %iota3A : vector<4096x32xi32> to vector<4096x32xf32>
    %ge3A = arith.constant 5 : i32
    %ge3A_46 = vector.broadcast %ge3A : i32 to vector<4096x32xi32>
    %ge3A_47 = arith.cmpi sge, %iota3A, %ge3A_46 : vector<4096x32xi32>
    %le3A = arith.constant 16 : i32
    %le3A_48 = vector.broadcast %le3A : i32 to vector<4096x32xi32>
    %le3A_49 = arith.cmpi sle, %iota3A, %le3A_48 : vector<4096x32xi32>
    %and3A = arith.andi %ge3A_47, %le3A_49 : vector<4096x32xi1>
    %jit3A_50 = arith.constant 0xFF800000 : f32
    %broadcast_in_dim3A_51 = vector.broadcast %jit3A_50 : f32 to vector<4096x32xf32>
    %select_n3A_52 = arith.select %and3A, %add3A_45, %broadcast_in_dim3A_51 : vector<4096x32xi1>, vector<4096x32xf32>
    %reduce_max3A = arith.constant dense<0xFF800000> : vector<4096xf32>
    %reduce_max3A_53 = vector.multi_reduction <maximumf>, %select_n3A_52, %reduce_max3A [1] : vector<4096x32xf32> to vector<4096xf32>
    %broadcast_in_dim3A_54 = vector.shape_cast %reduce_max3A_53 : vector<4096xf32> to vector<4096x1xf32>
    %eq3A_55 = vector.broadcast %broadcast_in_dim3A_54 : vector<4096x1xf32> to vector<4096x32xf32>
    %eq3A_56 = arith.cmpf oeq, %add3A_45, %eq3A_55 : vector<4096x32xf32>
    %and3A_57 = arith.andi %and3A, %eq3A_56 : vector<4096x32xi1>
    %sub3A_58 = arith.constant 5.000000e+00 : f32
    %sub3A_59 = vector.broadcast %sub3A_58 : f32 to vector<4096x32xf32>
    %sub3A_60 = arith.subf %convert_element_type3A, %sub3A_59 : vector<4096x32xf32>
    %jit3A_61 = arith.constant 1.000000e+09 : f32
    %broadcast_in_dim3A_62 = vector.broadcast %jit3A_61 : f32 to vector<4096x32xf32>
    %select_n3A_63 = arith.select %and3A_57, %sub3A_60, %broadcast_in_dim3A_62 : vector<4096x32xi1>, vector<4096x32xf32>
    %reduce_min3A = arith.constant dense<0x7F800000> : vector<4096xf32>
    %reduce_min3A_64 = vector.multi_reduction <minimumf>, %select_n3A_63, %reduce_min3A [1] : vector<4096x32xf32> to vector<4096xf32>
    %broadcast_in_dim3A_65 = vector.shape_cast %reduce_min3A_64 : vector<4096xf32> to vector<4096x1xf32>
    %ge3A_66 = arith.constant 17 : i32
    %ge3A_67 = vector.broadcast %ge3A_66 : i32 to vector<4096x32xi32>
    %ge3A_68 = arith.cmpi sge, %iota3A, %ge3A_67 : vector<4096x32xi32>
    %sub3A_69 = arith.constant 1.700000e+01 : f32
    %sub3A_70 = vector.broadcast %sub3A_69 : f32 to vector<4096x32xf32>
    %sub3A_71 = arith.subf %convert_element_type3A, %sub3A_70 : vector<4096x32xf32>
    %eq3A_72 = vector.broadcast %broadcast_in_dim3A_65 : vector<4096x1xf32> to vector<4096x32xf32>
    %eq3A_73 = arith.cmpf oeq, %sub3A_71, %eq3A_72 : vector<4096x32xf32>
    %and3A_74 = arith.andi %ge3A_68, %eq3A_73 : vector<4096x32xi1>
    %jit3A_75 = arith.constant 0.000000e+00 : f32
    %broadcast_in_dim3A_76 = vector.broadcast %jit3A_75 : f32 to vector<4096x32xf32>
    %select_n3A_77 = arith.select %and3A_74, %add3A_45, %broadcast_in_dim3A_76 : vector<4096x32xi1>, vector<4096x32xf32>
    %reduce_sum3A = arith.constant dense<0.000000e+00> : vector<4096xf32>
    %reduce_sum3A_78 = vector.multi_reduction <add>, %select_n3A_77, %reduce_sum3A [1] : vector<4096x32xf32> to vector<4096xf32>
    %broadcast_in_dim3A_79 = vector.shape_cast %reduce_sum3A_78 : vector<4096xf32> to vector<4096x1xf32>
    %mul3A_80 = arith.constant 0.52359879 : f32
    %mul3A_81 = vector.broadcast %mul3A_80 : f32 to vector<4096x1xf32>
    %mul3A_82 = arith.mulf %broadcast_in_dim3A_65, %mul3A_81 : vector<4096x1xf32>
    %mul3A_83 = arith.constant 0.261799395 : f32
    %mul3A_84 = vector.broadcast %mul3A_83 : f32 to vector<4096x1xf32>
    %mul3A_85 = arith.mulf %broadcast_in_dim3A_79, %mul3A_84 : vector<4096x1xf32>
    %add3A_86 = arith.addf %mul3A_82, %mul3A_85 : vector<4096x1xf32>
    %jit3A_87 = arith.constant 6.28318548 : f32
    %rem3A = vector.broadcast %jit3A_87 : f32 to vector<4096x1xf32>
    %rem3A_88 = arith.remf %add3A_86, %rem3A : vector<4096x1xf32>
    %ne3A = arith.constant 0.000000e+00 : f32
    %ne3A_89 = vector.broadcast %ne3A : f32 to vector<4096x1xf32>
    %ne3A_90 = arith.cmpf one, %rem3A_88, %ne3A_89 : vector<4096x1xf32>
    %lt3A = arith.constant 0.000000e+00 : f32
    %lt3A_91 = vector.broadcast %lt3A : f32 to vector<4096x1xf32>
    %lt3A_92 = arith.cmpf olt, %rem3A_88, %lt3A_91 : vector<4096x1xf32>
    %lt3A_93 = arith.constant 0.000000e+00 : f32
    %lt3A_94 = arith.cmpf olt, %jit3A_87, %lt3A_93 : f32
    %ne3A_95 = vector.broadcast %lt3A_94 : i1 to vector<4096x1xi1>
    %ne3A_96 = vector.broadcast %ne3A_95 : vector<4096x1xi1> to vector<4096x1xi1>
    %ne3A_97 = arith.xori %lt3A_92, %ne3A_96 : vector<4096x1xi1>
    %and3A_98 = arith.andi %ne3A_97, %ne3A_90 : vector<4096x1xi1>
    %add3A_99 = vector.broadcast %jit3A_87 : f32 to vector<4096x1xf32>
    %add3A_100 = arith.addf %rem3A_88, %add3A_99 : vector<4096x1xf32>
    %select_n3A_101 = arith.select %and3A_98, %add3A_100, %rem3A_88 : vector<4096x1xi1>, vector<4096x1xf32>
    %gt3A = arith.constant 3.14159274 : f32
    %gt3A_102 = vector.broadcast %gt3A : f32 to vector<4096x1xf32>
    %gt3A_103 = arith.cmpf ogt, %select_n3A_101, %gt3A_102 : vector<4096x1xf32>
    %sub3A_104 = arith.constant 6.28318548 : f32
    %sub3A_105 = vector.broadcast %sub3A_104 : f32 to vector<4096x1xf32>
    %sub3A_106 = arith.subf %select_n3A_101, %sub3A_105 : vector<4096x1xf32>
    %select_n3A_107 = arith.select %gt3A_103, %sub3A_106, %select_n3A_101 : vector<4096x1xi1>, vector<4096x1xf32>
    %eq3A_108 = arith.constant 29 : i32
    %eq3A_109 = vector.broadcast %eq3A_108 : i32 to vector<4096x32xi32>
    %eq3A_110 = arith.cmpi eq, %iota3A, %eq3A_109 : vector<4096x32xi32>
    %jit3A_111 = arith.constant 0.000000e+00 : f32
    %broadcast_in_dim3A_112 = vector.broadcast %jit3A_111 : f32 to vector<4096x32xf32>
    %select_n3A_113 = arith.select %eq3A_110, %add3A_45, %broadcast_in_dim3A_112 : vector<4096x32xi1>, vector<4096x32xf32>
    %reduce_sum3A_114 = arith.constant dense<0.000000e+00> : vector<4096xf32>
    %reduce_sum3A_115 = vector.multi_reduction <add>, %select_n3A_113, %reduce_sum3A_114 [1] : vector<4096x32xf32> to vector<4096xf32>
    %broadcast_in_dim3A_116 = vector.shape_cast %reduce_sum3A_115 : vector<4096xf32> to vector<4096x1xf32>
    %mul3A_117 = arith.constant 4.700000e+00 : f32
    %mul3A_118 = vector.broadcast %mul3A_117 : f32 to vector<4096x1xf32>
    %mul3A_119 = arith.mulf %broadcast_in_dim3A_116, %mul3A_118 : vector<4096x1xf32>
    %add3A_120 = arith.constant 4.700000e+00 : f32
    %add3A_121 = vector.broadcast %add3A_120 : f32 to vector<4096x1xf32>
    %add3A_122 = arith.addf %mul3A_119, %add3A_121 : vector<4096x1xf32>
    %eq3A_123 = arith.constant 30 : i32
    %eq3A_124 = vector.broadcast %eq3A_123 : i32 to vector<4096x32xi32>
    %eq3A_125 = arith.cmpi eq, %iota3A, %eq3A_124 : vector<4096x32xi32>
    %jit3A_126 = arith.constant 0.000000e+00 : f32
    %broadcast_in_dim3A_127 = vector.broadcast %jit3A_126 : f32 to vector<4096x32xf32>
    %select_n3A_128 = arith.select %eq3A_125, %add3A_45, %broadcast_in_dim3A_127 : vector<4096x32xi1>, vector<4096x32xf32>
    %reduce_sum3A_129 = arith.constant dense<0.000000e+00> : vector<4096xf32>
    %reduce_sum3A_130 = vector.multi_reduction <add>, %select_n3A_128, %reduce_sum3A_129 [1] : vector<4096x32xf32> to vector<4096xf32>
    %broadcast_in_dim3A_131 = vector.shape_cast %reduce_sum3A_130 : vector<4096xf32> to vector<4096x1xf32>
    %mul3A_132 = arith.constant 2.100000e+00 : f32
    %mul3A_133 = vector.broadcast %mul3A_132 : f32 to vector<4096x1xf32>
    %mul3A_134 = arith.mulf %broadcast_in_dim3A_131, %mul3A_133 : vector<4096x1xf32>
    %add3A_135 = arith.constant 2.100000e+00 : f32
    %add3A_136 = vector.broadcast %add3A_135 : f32 to vector<4096x1xf32>
    %add3A_137 = arith.addf %mul3A_134, %add3A_136 : vector<4096x1xf32>
    %eq3A_138 = arith.constant 31 : i32
    %eq3A_139 = vector.broadcast %eq3A_138 : i32 to vector<4096x32xi32>
    %eq3A_140 = arith.cmpi eq, %iota3A, %eq3A_139 : vector<4096x32xi32>
    %jit3A_141 = arith.constant 0.000000e+00 : f32
    %broadcast_in_dim3A_142 = vector.broadcast %jit3A_141 : f32 to vector<4096x32xf32>
    %select_n3A_143 = arith.select %eq3A_140, %add3A_45, %broadcast_in_dim3A_142 : vector<4096x32xi1>, vector<4096x32xf32>
    %reduce_sum3A_144 = arith.constant dense<0.000000e+00> : vector<4096xf32>
    %reduce_sum3A_145 = vector.multi_reduction <add>, %select_n3A_143, %reduce_sum3A_144 [1] : vector<4096x32xf32> to vector<4096xf32>
    %broadcast_in_dim3A_146 = vector.shape_cast %reduce_sum3A_145 : vector<4096xf32> to vector<4096x1xf32>
    %mul3A_147 = arith.constant 1.700000e+00 : f32
    %mul3A_148 = vector.broadcast %mul3A_147 : f32 to vector<4096x1xf32>
    %mul3A_149 = arith.mulf %broadcast_in_dim3A_146, %mul3A_148 : vector<4096x1xf32>
    %add3A_150 = arith.constant 1.700000e+00 : f32
    %add3A_151 = vector.broadcast %add3A_150 : f32 to vector<4096x1xf32>
    %add3A_152 = arith.addf %mul3A_149, %add3A_151 : vector<4096x1xf32>
    %div3A = arith.constant 5.120000e+02 : f32
    %div3A_153 = vector.broadcast %div3A : f32 to vector<4096x1xf32>
    %div3A_154 = arith.divf %get3A_4, %div3A_153 : vector<4096x1xf32>
    %floor3A_155 = math.floor %div3A_154 : vector<4096x1xf32>
    %mul3A_156 = arith.constant 5.120000e+02 : f32
    %mul3A_157 = vector.broadcast %mul3A_156 : f32 to vector<4096x1xf32>
    %mul3A_158 = arith.mulf %floor3A_155, %mul3A_157 : vector<4096x1xf32>
    %sub3A_159 = arith.subf %get3A_4, %mul3A_158 : vector<4096x1xf32>
    %add3A_160 = arith.constant 5.000000e-01 : f32
    %add3A_161 = vector.broadcast %add3A_160 : f32 to vector<4096x1xf32>
    %add3A_162 = arith.addf %floor3A_155, %add3A_161 : vector<4096x1xf32>
    %mul3A_163 = arith.constant 3.200000e-01 : f32
    %mul3A_164 = vector.broadcast %mul3A_163 : f32 to vector<4096x1xf32>
    %mul3A_165 = arith.mulf %add3A_162, %mul3A_164 : vector<4096x1xf32>
    %add3A_166 = arith.constant -81.9199981 : f32
    %add3A_167 = vector.broadcast %add3A_166 : f32 to vector<4096x1xf32>
    %add3A_168 = arith.addf %add3A_167, %mul3A_165 : vector<4096x1xf32>
    %eq3A_169 = arith.constant 2 : i32
    %eq3A_170 = vector.broadcast %eq3A_169 : i32 to vector<4096x32xi32>
    %eq3A_171 = arith.cmpi eq, %iota3A, %eq3A_170 : vector<4096x32xi32>
    %jit3A_172 = arith.constant 0.000000e+00 : f32
    %broadcast_in_dim3A_173 = vector.broadcast %jit3A_172 : f32 to vector<4096x32xf32>
    %select_n3A_174 = arith.select %eq3A_171, %add3A_45, %broadcast_in_dim3A_173 : vector<4096x32xi1>, vector<4096x32xf32>
    %reduce_sum3A_175 = arith.constant dense<0.000000e+00> : vector<4096xf32>
    %reduce_sum3A_176 = vector.multi_reduction <add>, %select_n3A_174, %reduce_sum3A_175 [1] : vector<4096x32xf32> to vector<4096xf32>
    %broadcast_in_dim3A_177 = vector.shape_cast %reduce_sum3A_176 : vector<4096xf32> to vector<4096x1xf32>
    %add3A_178 = arith.addf %add3A_168, %broadcast_in_dim3A_177 : vector<4096x1xf32>
    %add3A_179 = arith.constant 5.000000e-01 : f32
    %add3A_180 = vector.broadcast %add3A_179 : f32 to vector<4096x1xf32>
    %add3A_181 = arith.addf %sub3A_159, %add3A_180 : vector<4096x1xf32>
    %mul3A_182 = arith.constant 3.200000e-01 : f32
    %mul3A_183 = vector.broadcast %mul3A_182 : f32 to vector<4096x1xf32>
    %mul3A_184 = arith.mulf %add3A_181, %mul3A_183 : vector<4096x1xf32>
    %add3A_185 = arith.constant -81.9199981 : f32
    %add3A_186 = vector.broadcast %add3A_185 : f32 to vector<4096x1xf32>
    %add3A_187 = arith.addf %add3A_186, %mul3A_184 : vector<4096x1xf32>
    %eq3A_188 = arith.constant 3 : i32
    %eq3A_189 = vector.broadcast %eq3A_188 : i32 to vector<4096x32xi32>
    %eq3A_190 = arith.cmpi eq, %iota3A, %eq3A_189 : vector<4096x32xi32>
    %jit3A_191 = arith.constant 0.000000e+00 : f32
    %broadcast_in_dim3A_192 = vector.broadcast %jit3A_191 : f32 to vector<4096x32xf32>
    %select_n3A_193 = arith.select %eq3A_190, %add3A_45, %broadcast_in_dim3A_192 : vector<4096x32xi1>, vector<4096x32xf32>
    %reduce_sum3A_194 = arith.constant dense<0.000000e+00> : vector<4096xf32>
    %reduce_sum3A_195 = vector.multi_reduction <add>, %select_n3A_193, %reduce_sum3A_194 [1] : vector<4096x32xf32> to vector<4096xf32>
    %broadcast_in_dim3A_196 = vector.shape_cast %reduce_sum3A_195 : vector<4096xf32> to vector<4096x1xf32>
    %add3A_197 = arith.addf %add3A_187, %broadcast_in_dim3A_196 : vector<4096x1xf32>
    %eq3A_198 = arith.constant 4 : i32
    %eq3A_199 = vector.broadcast %eq3A_198 : i32 to vector<4096x32xi32>
    %eq3A_200 = arith.cmpi eq, %iota3A, %eq3A_199 : vector<4096x32xi32>
    %jit3A_201 = arith.constant 0.000000e+00 : f32
    %broadcast_in_dim3A_202 = vector.broadcast %jit3A_201 : f32 to vector<4096x32xf32>
    %select_n3A_203 = arith.select %eq3A_200, %add3A_45, %broadcast_in_dim3A_202 : vector<4096x32xi1>, vector<4096x32xf32>
    %reduce_sum3A_204 = arith.constant dense<0.000000e+00> : vector<4096xf32>
    %reduce_sum3A_205 = vector.multi_reduction <add>, %select_n3A_203, %reduce_sum3A_204 [1] : vector<4096x32xf32> to vector<4096xf32>
    %broadcast_in_dim3A_206 = vector.shape_cast %reduce_sum3A_205 : vector<4096xf32> to vector<4096x1xf32>
    %iota3A_207 = tpu.iota {dimensions = array<i32: 1>} : vector<4096x8xi32>
    %broadcast_in_dim3A_208 = arith.constant 0.000000e+00 : f32
    %broadcast_in_dim3A_209 = vector.broadcast %broadcast_in_dim3A_208 : f32 to vector<4096x8xf32>
    %eq3A_210 = arith.constant 0 : i32
    %eq3A_211 = vector.broadcast %eq3A_210 : i32 to vector<4096x8xi32>
    %eq3A_212 = arith.cmpi eq, %iota3A_207, %eq3A_211 : vector<4096x8xi32>
    %jit3A_213 = arith.constant 0.000000e+00 : f32
    %broadcast_in_dim3A_214 = vector.shape_cast %add3A_178 : vector<4096x1xf32> to vector<4096x1xf32>
    %broadcast_in_dim3A_215 = vector.broadcast %broadcast_in_dim3A_214 : vector<4096x1xf32> to vector<4096x8xf32>
    %broadcast_in_dim3A_216 = vector.broadcast %jit3A_213 : f32 to vector<4096x8xf32>
    %select_n3A_217 = arith.select %eq3A_212, %broadcast_in_dim3A_215, %broadcast_in_dim3A_216 : vector<4096x8xi1>, vector<4096x8xf32>
    %add3A_218 = arith.addf %broadcast_in_dim3A_209, %select_n3A_217 : vector<4096x8xf32>
    %eq3A_219 = arith.constant 1 : i32
    %eq3A_220 = vector.broadcast %eq3A_219 : i32 to vector<4096x8xi32>
    %eq3A_221 = arith.cmpi eq, %iota3A_207, %eq3A_220 : vector<4096x8xi32>
    %jit3A_222 = arith.constant 0.000000e+00 : f32
    %broadcast_in_dim3A_223 = vector.shape_cast %add3A_197 : vector<4096x1xf32> to vector<4096x1xf32>
    %broadcast_in_dim3A_224 = vector.broadcast %broadcast_in_dim3A_223 : vector<4096x1xf32> to vector<4096x8xf32>
    %broadcast_in_dim3A_225 = vector.broadcast %jit3A_222 : f32 to vector<4096x8xf32>
    %select_n3A_226 = arith.select %eq3A_221, %broadcast_in_dim3A_224, %broadcast_in_dim3A_225 : vector<4096x8xi1>, vector<4096x8xf32>
    %add3A_227 = arith.addf %add3A_218, %select_n3A_226 : vector<4096x8xf32>
    %eq3A_228 = arith.constant 2 : i32
    %eq3A_229 = vector.broadcast %eq3A_228 : i32 to vector<4096x8xi32>
    %eq3A_230 = arith.cmpi eq, %iota3A_207, %eq3A_229 : vector<4096x8xi32>
    %jit3A_231 = arith.constant 0.000000e+00 : f32
    %broadcast_in_dim3A_232 = vector.shape_cast %broadcast_in_dim3A_206 : vector<4096x1xf32> to vector<4096x1xf32>
    %broadcast_in_dim3A_233 = vector.broadcast %broadcast_in_dim3A_232 : vector<4096x1xf32> to vector<4096x8xf32>
    %broadcast_in_dim3A_234 = vector.broadcast %jit3A_231 : f32 to vector<4096x8xf32>
    %select_n3A_235 = arith.select %eq3A_230, %broadcast_in_dim3A_233, %broadcast_in_dim3A_234 : vector<4096x8xi1>, vector<4096x8xf32>
    %add3A_236 = arith.addf %add3A_227, %select_n3A_235 : vector<4096x8xf32>
    %eq3A_237 = arith.constant 3 : i32
    %eq3A_238 = vector.broadcast %eq3A_237 : i32 to vector<4096x8xi32>
    %eq3A_239 = arith.cmpi eq, %iota3A_207, %eq3A_238 : vector<4096x8xi32>
    %jit3A_240 = arith.constant 0.000000e+00 : f32
    %broadcast_in_dim3A_241 = vector.shape_cast %add3A_122 : vector<4096x1xf32> to vector<4096x1xf32>
    %broadcast_in_dim3A_242 = vector.broadcast %broadcast_in_dim3A_241 : vector<4096x1xf32> to vector<4096x8xf32>
    %broadcast_in_dim3A_243 = vector.broadcast %jit3A_240 : f32 to vector<4096x8xf32>
    %select_n3A_244 = arith.select %eq3A_239, %broadcast_in_dim3A_242, %broadcast_in_dim3A_243 : vector<4096x8xi1>, vector<4096x8xf32>
    %add3A_245 = arith.addf %add3A_236, %select_n3A_244 : vector<4096x8xf32>
    %eq3A_246 = arith.constant 4 : i32
    %eq3A_247 = vector.broadcast %eq3A_246 : i32 to vector<4096x8xi32>
    %eq3A_248 = arith.cmpi eq, %iota3A_207, %eq3A_247 : vector<4096x8xi32>
    %jit3A_249 = arith.constant 0.000000e+00 : f32
    %broadcast_in_dim3A_250 = vector.shape_cast %add3A_137 : vector<4096x1xf32> to vector<4096x1xf32>
    %broadcast_in_dim3A_251 = vector.broadcast %broadcast_in_dim3A_250 : vector<4096x1xf32> to vector<4096x8xf32>
    %broadcast_in_dim3A_252 = vector.broadcast %jit3A_249 : f32 to vector<4096x8xf32>
    %select_n3A_253 = arith.select %eq3A_248, %broadcast_in_dim3A_251, %broadcast_in_dim3A_252 : vector<4096x8xi1>, vector<4096x8xf32>
    %add3A_254 = arith.addf %add3A_245, %select_n3A_253 : vector<4096x8xf32>
    %eq3A_255 = arith.constant 5 : i32
    %eq3A_256 = vector.broadcast %eq3A_255 : i32 to vector<4096x8xi32>
    %eq3A_257 = arith.cmpi eq, %iota3A_207, %eq3A_256 : vector<4096x8xi32>
    %jit3A_258 = arith.constant 0.000000e+00 : f32
    %broadcast_in_dim3A_259 = vector.shape_cast %add3A_152 : vector<4096x1xf32> to vector<4096x1xf32>
    %broadcast_in_dim3A_260 = vector.broadcast %broadcast_in_dim3A_259 : vector<4096x1xf32> to vector<4096x8xf32>
    %broadcast_in_dim3A_261 = vector.broadcast %jit3A_258 : f32 to vector<4096x8xf32>
    %select_n3A_262 = arith.select %eq3A_257, %broadcast_in_dim3A_260, %broadcast_in_dim3A_261 : vector<4096x8xi1>, vector<4096x8xf32>
    %add3A_263 = arith.addf %add3A_254, %select_n3A_262 : vector<4096x8xf32>
    %eq3A_264 = arith.constant 6 : i32
    %eq3A_265 = vector.broadcast %eq3A_264 : i32 to vector<4096x8xi32>
    %eq3A_266 = arith.cmpi eq, %iota3A_207, %eq3A_265 : vector<4096x8xi32>
    %jit3A_267 = arith.constant 0.000000e+00 : f32
    %broadcast_in_dim3A_268 = vector.shape_cast %select_n3A_107 : vector<4096x1xf32> to vector<4096x1xf32>
    %broadcast_in_dim3A_269 = vector.broadcast %broadcast_in_dim3A_268 : vector<4096x1xf32> to vector<4096x8xf32>
    %broadcast_in_dim3A_270 = vector.broadcast %jit3A_267 : f32 to vector<4096x8xf32>
    %select_n3A_271 = arith.select %eq3A_266, %broadcast_in_dim3A_269, %broadcast_in_dim3A_270 : vector<4096x8xi1>, vector<4096x8xf32>
    %add3A_272 = arith.addf %add3A_263, %select_n3A_271 : vector<4096x8xf32>
    %swap3A = arith.constant 0 : index
    %swap3A_273 = arith.constant 0 : index
    %swap3A_274 = vector.load %arg2[%swap3A, %swap3A_273] : memref<4096x8xf32, #tpu.memory_space<vmem>>, vector<4096x8xf32>
    tpu.vector_store %arg2[%swap3A, %swap3A_273], %add3A_272 {strides = array<i32>} : memref<4096x8xf32, #tpu.memory_space<vmem>>, vector<4096x8xf32>,
    return
  }
}

</mosaic_0001>

<sc_bundles>
// kernel: gather_offload_async_start
scs
__scs_entry_jumppad:
0x0: {  	(pc) =	sbr.rel $0x88, $3  }
0x1: {  	(tag) =	ssettag $0x0;
	lr =	simm.s32 $0x1  }
0x2: {  	[smem:$0x3FA0] =	sst lr;
	_ =	strace $0xD0000000  }
0x3: {  	_ = 	snop  }
0x4: {  	_ = 	snop  }
0x5: {  	_ = 	snop  }
0x6: {  	_ = 	snop  }
0x7: {  	_ = 	snop  }
__scs_overlays_trampoline_lowered:
0x8: {  	[smem:$0x3FAF] =	sst s0  }
0x9: {  	[smem:$0x3FB0] =	sst s1  }
0xa: {  	[smem:$0x3FB1] =	sst s2  }
0xb: {  	[smem:$0x3FB2] =	sst s3  }
0xc: {  	[smem:$0x3FB3] =	sst s4  }
0xd: {  	[smem:$0x3FB4] =	sst s5  }
0xe: {  	[smem:$0x3FB5] =	sst s6  }
0xf: {  	[smem:$0x3FB6] =	sst s7  }
0x10: {  	[smem:$0x3FB7] =	sst s8  }
0x11: {  	[smem:$0x3FB8] =	sst s9;
	s0 =	simm.s32 @!p0 $0x0  }
0x12: {  	s1 =	sld [smem:$0x3F9E];
	s0 =	simm.s32 @p0 $0x1  }
0x13: {  	[smem:$0x3FB9] =	sst s0;
	s0 =	simm.s32 @!p1 $0x0  }
0x14: {  	s2 =	sld [smem:$0x3F9D];
	s0 =	simm.s32 @p1 $0x1  }
0x15: {  	[smem:$0x3FBA] =	sst s0;
	s0 =	simm.s32 @!p2 $0x0  }
0x16: {  	s3 =	sld [smem:$0x3FDB];
	s0 =	simm.s32 @p2 $0x1  }
0x17: {  	s4 =	simm.s32 $0x1BF5;
	[smem:$0x3FBC] =	sst s0  }
0x18: {  	s0 =	sld [smem:$0x3F9F];
	_ =	swait.ge [sflag:s4], $0x0  }
0x19: {  	s7 =	sld [smem:$0x3FA0]  }
0x1a: {  	s8 =	sadd.s32 $0xFFFFE003, lr  }
0x1b: {  	s9 =	sadd.s32 $0xFFFFFEF7, lr;
	s5 =	simm.s32 $0xFFFFFFFF;
	p2 =	slt.u32 s8, $0xFFFFF086  }
0x1c: {  	p1 =	slt.u32 s9, $0xF7A;
	s5 =	simm.s32 @!p2 $0x0  }
0x1d: {  	s5 =	simm.s32 @p1 $0x1;
	p0 =	seq.s32 s7, s2  }
0x1e: {  	s7 =	smul.u32 @!p0 $0xF7A, s2;
	p2 =	seq.s32 @!p0 s5, $0x0  }
0x1f: {  	s9 =	smul.u32 $0xF7A, s1;
	s8 =	simm.s32 @!p0 $0x1BF5;
	p2 =	por !p2, p0  }
0x20: {  	[sflag:s8] =	ssyncset.s32 @!p0 $0xFFFFF086;
	s6 =	sadd.s32 @!p0 s3, s7;
	s7 =	simm.s32 @!p0 $0x108  }
0x21: {  	s3 =	sadd.s32 s3, s9;
	s6 =	sadd.s32 @!p0 $0x88, s6;
	s7 =	simm.s32 @p2 $0x1082  }
0x22: {  	[simem:s7], [sflag:s8] =	dma.local @!p0 [hbm:s6], $0xF7A  }
0x23: {  	s9 =	sor.u32 $0xD0000000, s2;
	s6 =	simm.s32 $0x108;
	_ =	swait.ge @!p0 [sflag:s8], $0x0  }
0x24: {  	s3 =	sadd.s32 $0x88, s3;
	s6 =	simm.s32 @!p1 $0x1082;
	[sflag:s4] =	ssyncset.s32 $0xFFFFF086  }
0x25: {  	[simem:s6], [sflag:s4] =	dma.local [hbm:s3], $0xF7A  }
0x26: {  	[smem:$0x3FA0] =	sst s1;
	(tag) =	ssettag s2;
	_ =	strace s9  }
0x27: {  	s1 =	sld [smem:$0x3FB0]  }
0x28: {  	s2 =	sld [smem:$0x3FB1]  }
0x29: {  	s4 =	sld [smem:$0x3FB3]  }
0x2a: {  	p0 =	seq.s32 s5, $0x0;
	s5 =	sld [smem:$0x3FB4]  }
0x2b: {  	s6 =	sld [smem:$0x3FB5]  }
0x2c: {  	s7 =	sld [smem:$0x3FB6]  }
0x2d: {  	s3 =	simm.s32 $0x108;
	s8 =	sld [smem:$0x3FB7]  }
0x2e: {  	s3 =	simm.s32 @!p0 $0x1082;
	s9 =	sld [smem:$0x3FB8]  }
0x2f: {  	lr =	sadd.s32 s0, s3;
	s0 =	sld [smem:$0x3FAF]  }
0x30: {  	s3 =	sld [smem:$0x3FB2]  }
0x31: {  	[smem:$0x3FBB] =	sst s10  }
0x32: {  	s10 =	sld [smem:$0x3FB9];
	_ =	sdelay $0x3  }
0x33: {  	p0 =	seq.s32 s10, $0x1;
	s10 =	sld [smem:$0x3FBB];
	_ =	sdelay $0x3  }
0x34: {  	[smem:$0x3FBB] =	sst s10  }
0x35: {  	s10 =	sld [smem:$0x3FBA];
	_ =	sdelay $0x3  }
0x36: {  	p1 =	seq.s32 s10, $0x1;
	s10 =	sld [smem:$0x3FBB];
	_ =	sdelay $0x3  }
0x37: {  	[smem:$0x3FBB] =	sst s10  }
0x38: {  	s10 =	sld [smem:$0x3FBC]  }
0x39: {  	_ = 	snop;
	(pc) =	sbr.ind lr, $3  }
0x3a: {  	_ = 	snop  }
0x3b: {  	_ = 	snop  }
0x3c: {  	p2 =	seq.s32 s10, $0x1;
	s10 =	sld [smem:$0x3FBB]  }
0x3d: {  	_ =	shalt  }
0x3e: {  	_ =	shalt  }
0x3f: {  	_ =	shalt  }
0x40: {  	_ =	shalt  }
0x41: {  	_ =	shalt  }
0x42: {  	_ =	shalt  }
0x43: {  	_ =	shalt  }
0x44: {  	_ =	shalt  }
0x45: {  	_ =	shalt  }
0x46: {  	_ =	shalt  }
0x47: {  	_ =	shalt  }
0x48: {  	_ =	shalt  }
0x49: {  	_ =	shalt  }
0x4a: {  	_ =	shalt  }
0x4b: {  	_ =	shalt  }
0x4c: {  	_ =	shalt  }
0x4d: {  	_ =	shalt  }
0x4e: {  	_ =	shalt  }
0x4f: {  	_ =	shalt  }
0x50: {  	_ =	shalt  }
0x51: {  	_ =	shalt  }
0x52: {  	_ =	shalt  }
0x53: {  	_ =	shalt  }
0x54: {  	_ =	shalt  }
0x55: {  	_ =	shalt  }
0x56: {  	_ =	shalt  }
0x57: {  	_ =	shalt  }
0x58: {  	_ =	shalt  }
0x59: {  	_ =	shalt  }
0x5a: {  	_ =	shalt  }
0x5b: {  	_ =	shalt  }
0x5c: {  	_ =	shalt  }
0x5d: {  	_ =	shalt  }
0x5e: {  	_ =	shalt  }
0x5f: {  	_ =	shalt  }
0x60: {  	_ =	shalt  }
0x61: {  	_ =	shalt  }
0x62: {  	_ =	shalt  }
0x63: {  	_ =	shalt  }
0x64: {  	_ =	shalt  }
0x65: {  	_ =	shalt  }
0x66: {  	_ =	shalt  }
0x67: {  	_ =	shalt  }
0x68: {  	_ =	shalt  }
0x69: {  	_ =	shalt  }
0x6a: {  	_ =	shalt  }
0x6b: {  	_ =	shalt  }
0x6c: {  	_ =	shalt  }
0x6d: {  	_ =	shalt  }
0x6e: {  	_ =	shalt  }
0x6f: {  	_ =	shalt  }
0x70: {  	_ =	shalt  }
0x71: {  	_ =	shalt  }
0x72: {  	_ =	shalt  }
0x73: {  	_ =	shalt  }
0x74: {  	_ =	shalt  }
0x75: {  	_ =	shalt  }
0x76: {  	_ =	shalt  }
0x77: {  	_ =	shalt  }
0x78: {  	_ =	shalt  }
0x79: {  	_ =	shalt  }
0x7a: {  	_ =	shalt  }
0x7b: {  	_ =	shalt  }
0x7c: {  	_ =	shalt  }
0x7d: {  	_ =	shalt  }
0x7e: {  	_ =	shalt  }
0x7f: {  	_ =	shalt  }
0x80: {  	_ =	shalt  }
0x81: {  	_ =	shalt  }
0x82: {  	_ =	shalt  }
0x83: {  	_ =	shalt  }
0x84: {  	_ =	shalt  }
0x85: {  	_ =	shalt  }
0x86: {  	_ =	shalt  }
0x87: {  	_ =	shalt  }
.Lfunc_end0:
.L_simem_size_0:
called_computation_lowered:
.L_overlay_start_0:
0x88: {  	s2 =	sld [smem:$0x3FD9]  }
0x89: {  	s3 =	sld [smem:$0x3FFE];
	_ =	sdelay $0x1  }
0x8a: {  	s1 =	srdreg.scid  }
0x8b: {  	s0 =	sand.u32 $0x1, s1  }
0x8c: {  	s14 =	sshll.u32 s0, $0xA;
	s2 =	sadd.s32 s3, s2  }
0x8d: {  	s2 =	sadd.s32 s2, s14  }
0x8e: {  	[smem:$0x3FC7] =	sst s2  }
0x8f: {  	_ = 	snop  }
0x90: {  	s2 =	sld [smem:$0x3FD0];
	_ =	sdelay $0x2  }
0x91: {  	s15 =	simm.s32 $0xA;
	s4 =	simm.s32 $0x10  }
0x92: {  	[smem:s4], [sflag:s15] =	dma.local [hbm:s2], $0x1  }
0x93: {  	_ =	swait.eq [sflag:s15], $0x1  }
0x94: {  	[sflag:s15] =	ssyncset.done $0x0  }
0x95: {  	s16 =	sld [smem:$0x11];
	[sflag:s15] =	ssyncadd.s32 $0xFFFFFFFF  }
0x96: {  	s17 =	sld [smem:$0x12];
	(tm) =	ssettm $0x1  }
0x97: {  	s18 =	sld [smem:$0x3FFB];
	_ =	sdelay $0x3  }
0x98: {  	_ =	strace s18  }
0x99: {  	s4 =	sld [smem:$0x3FFC];
	_ =	sdelay $0x3  }
0x9a: {  	_ =	strace s4  }
0x9b: {  	s4 =	sld [smem:$0x3FFD];
	_ =	sdelay $0x3  }
0x9c: {  	_ =	strace s4  }
0x9d: {  	_ =	strace $0x8FFFFFFF  }
0x9e: {  	s19 =	sld [smem:$0x3FDB];
	_ =	sdelay $0x1  }
0x9f: {  	s5 =	simm.s32 $_scs_section_size  }
0xa0: {  	s6 =	simm.s32 $_size__tile_overlayer_lowered;
	s7 =	simm.s32 $_tile_overlayer_lowered  }
0xa1: {  	s22 =	simm.s32 $0x1BFF;
	s21 =	sshll.u32 s7, $0x1;
	s4 =	sadd.s32 s5, s19  }
0xa2: {  	s8 =	simm.s32 $0x0;
	s20 =	sshll.u32 s6, $0x1;
	s6 =	sadd.s32 s21, s4  }
0xa3: {  	[timem:s8], [sflag:s22] =	dma.local [hbm:s6], s20  }
0xa4: {  	_ =	swait.ge [sflag:s22], s20  }
0xa5: {  	s5 =	ssub.s32 $0x0, s20;
	[sflag:s22] =	ssyncset.done $0x0  }
0xa6: {  	[sflag:s22] =	ssyncadd.s32 s5;
	_ =	sdelay $0x1  }
0xa7: {  	s23 =	simm.s32 $0x1B8B  }
0xa8: {  	_ =	swait.ge [sflag:s23], $0x1  }
0xa9: {  	[sflag:s23] =	ssyncset.done $0x0  }
0xaa: {  	s25 =	simm.s32 $0x1B8E;
	s24 =	sld [smem:$0x3FFE];
	[sflag:s23] =	ssyncadd.s32 $0xFFFFFFFF  }
0xab: {  	s26 =	simm.s32 $execute0_lowered;
	[smem:$0x3FD2] =	sst s25  }
0xac: {  	s6 =	sshll.u32 s26, $0x1;
	_ =	strace $0x80000046;
	[dreg:$0x1] =	wrdreg $0xFFFFFFFF  }
0xad: {  	s28 =	simm.s32 $_size_execute0_lowered;
	s4 =	sadd.s32 s4, s6;
	[dreg:$0x0] =	wrdreg $0x0  }
0xae: {  	s6 =	sshll.u32 s28, $0x1;
	[dreg:$0x2] =	wrdreg s4  }
0xaf: {  	[dreg:$0x3] =	wrdreg s6  }
0xb0: {  	[dreg:$0x4] =	wrdreg $0xC0  }
0xb1: {  	_ =	task [dreg:s8], $0x5FFFF  }
0xb2: {  	[dreg:$0x1] =	wrdreg $0xFFFFFFFF  }
0xb3: {  	[dreg:$0x0] =	wrdreg $0x60  }
0xb4: {  	[dreg:$0x2] =	wrdreg s24  }
0xb5: {  	[dreg:$0x3] =	wrdreg s17  }
0xb6: {  	[dreg:$0x4] =	wrdreg s16  }
0xb7: {  	[dreg:$0x5] =	wrdreg $0x9  }
0xb8: {  	_ =	task.clear_ibuf [dreg:s8], $0x6FFFF;
	_ =	strace $0x90000046  }
0xb9: {  	s29 =	simm.s32 $0x9;
	_ =	strace $0x80000048  }
0xba: {  	_ =	swait.ge [sflag:s29], $0x1  }
0xbb: {  	[sflag:s29] =	ssyncadd.s32 $0xFFFFFFFF  }
0xbc: {  	_ =	strace $0x90000048  }
0xbd: {  	_ =	sfence  }
0xbe: {  	s30 =	sld [smem:$0x0];
	_ =	sdelay $0x2  }
0xbf: {  	s31 =	sshll.u32 s1, $0xD;
	s1 =	sshrl.u32 s1, $0x2  }
0xc0: {  	s3 =	sand.u32 $0x4000, s31;
	s1 =	sadd.s32 s1, s30  }
0xc1: {  	s0 =	sor.u32 s3, s0;
	s1 =	sshll.u32 s1, $0x11  }
0xc2: {  	s0 =	sor.u32 s1, s0  }
0xc3: {  	s0 =	sadd.s32 $0x8F2B, s0  }
0xc4: {  	[sflag:s0] =	ssyncadd.remote.s32 $0x1  }
0xc5: {  	_ =	sfence.sel $0xFFFF  }
0xc6: {  	[dreg:$0x0] =	wrdreg $0xFFFFFFFF;
	(pc) =	sbr.abs _section_cstart, $3  }
0xc7: {  	[dreg:$0x1] =	wrdreg $0xFFFFFFFF  }
0xc8: {  	_ =	task.clear_ibuf [dreg:s8], $0x2FFFF;
	_ =	strace $0x9FFFFFFF  }
0xc9: {  	(tm) =	ssettm $0x7FFFFFFF  }
tec
execute0_lowered:
.L_overlay_start_1:
0x0: {  	(tag) =	ssettag $0x1  }
0x1: {  	s8 =	rddreg [dreg:$0x0]  }
0x2: {  	s2 =	rddreg [dreg:$0x1]  }
0x3: {  	s0 =	stileid.u32;
	s1 =	srdreg.scid  }
0x4: {  	s3 =	rddreg [dreg:$0x2];
	s9 =	simm.s32 $0x1;
	s10 =	simm.s32 $0x3  }
0x5: {  	s13 =	simm.s32 $0x0;
	s4 =	sand.u32 $0x1, s1;
	s5 =	sshll.u32 s0, $0x1  }
0x6: {  	s12 =	simm.s32 $0x0;
	s1 =	rddreg [dreg:$0x3];
	s6 =	sor.u32 s5, s4  }
0x7: {  	_ =	strace $0x80000047;
	s8 =	sadd.s32 $0x1004000, s8;
	s4 =	smul.u32 $0x50, s6  }
0x8: {  	s5 =	simm.s32 $0x1;
	p0 =	slt.u32 s6, $0x13;
	s6 =	simm.s32 $0xA00  }
.Ltmp0:
0x9: {  	s6 =	simm.s32 @!p0 $0x0;
	s7 =	ssub.s32 $0xFA0, s4;
	(pc) =	sbr.rel .LBB2_1-.Ltmp0, $4  }
0xa: {  	s9 =	simm.s32 @!p0 $0x0;
	p0 =	sne.s32 s7, s6;
	s7 =	simm.s32 $0x1  }
0xb: {  	[sflag:s5] =	ssyncpa.u1 $0x0;
	s6 =	simm.s32 $0x2;
	s7 =	simm.s32 @!p0 $0x0  }
0xc: {  	s11 =	smov.u32 s4;
	[sflag:s6] =	ssyncpa.u1 $0x0;
	s7 =	sadd.s32 s9, s7  }
0xd: {  	vm0 =	vmmov $0xffff;
	[sflag:s10] =	ssyncpa.u1 $0x0;
	s10 =	simm.s32 $0x0;
	s9 =	sadd.s32 $0x1, s7  }
.LBB2_4:
0xe: {  	vm1 =	veq.s32 v4, $0x80000000;
	v56 =	vand.u32 $0x3, v4;
	v6 =	vand.u32 $0x3FFF, v6  }
0xf: {  	v2 =	vor.u32 v2, v5;
	v59 =	vshrl.u32 v1, $0x2;
	v60 =	vand.u32 $0x3, v1  }
0x10: {  	v4 =	vsel vm1, $0xFFFFFFFF, v56;
	v6 =	vsel vm1, $0xFFFFFFFF, v6;
	v2 =	vor.u32 v3, v2  }
0x11: {  	vm1 =	veq.s32 v1, $0x80000000;
	v5 =	vand.u32 $0x3FFF, v59;
	v7 =	vshrl.u32 v4, $0x2  }
0x12: {  	v57 =	vshll.u32 v6, $0x2;
	v4 =	vshll.u32 v4, $0x7;
	v1 =	vsel vm1, $0xFFFFFFFF, v60  }
0x13: {  	v5 =	vsel vm1, $0xFFFFFFFF, v5;
	v6 =	vand.u32 $0x7F, v6;
	v7 =	vmul.u32 $0xFA00, v7  }
0x14: {  	v58 =	vand.u32 $0xFFFFFE00, v57;
	v4 =	vand.u32 $0x180, v4;
	v61 =	vshrl.u32 v1, $0x2  }
0x15: {  	v62 =	vshll.u32 v5, $0x2;
	v3 =	vadd.s32 v7, v58;
	v7 =	vmul.u32 $0xFA00, v61  }
0x16: {  	v1 =	vshll.u32 v1, $0x7;
	v3 =	vor.u32 v4, v3;
	v4 =	vand.u32 $0xFFFFFE00, v62  }
0x17: {  	v1 =	vand.u32 $0x180, v1;
	v3 =	vor.u32 v6, v3;
	v4 =	vadd.s32 v7, v4  }
0x18: {  	[tilespmem:s16], [sflag:$0x1] =	stream.indirect_vreg.gather [hbm4b:s8+s10], $0x1, v0, vm0, $0x4038;
	v63 =	vand.u32 $0x7F, v5;
	v1 =	vor.u32 v1, v4;
	[tilespmem:$0x140] =	vst v63  }
0x19: {  	s15 =	sadd.s32 $0x10, s15;
	(ifvalue) =	ssetifvalue $0x7FFFFFFF;
	v0 =	vor.u32 v63, v1  }
0x1a: {  	[tilespmem:s15], [sflag:$0x1] =	stream.indirect_vreg.gather [hbm4b:s8+s10], $0x1, v2, vm0, $0x4038;
	[tilespmem:$0x140] =	vst v63  }
0x1b: {  	s15 =	sadd.s32 $0x10, s15;
	(ifvalue) =	ssetifvalue $0x7FFFFFFF  }
0x1c: {  	[tilespmem:s15], [sflag:$0x1] =	stream.indirect_vreg.gather [hbm4b:s8+s10], $0x1, v3, vm0, $0x4038;
	[tilespmem:$0x140] =	vst v63  }
0x1d: {  	s15 =	sadd.s32 $0x10, s15;
	(ifvalue) =	ssetifvalue $0x7FFFFFFF  }
0x1e: {  	[tilespmem:s15], [sflag:$0x1] =	stream.indirect_vreg.gather [hbm4b:s8+s10], $0x1, v0, vm0, $0x4038;
	[tilespmem:$0x140] =	vst v63  }
0x1f: {  	_ =	swait.ge [sflag:s5], $0x50  }
0x20: {  	s30 =	sshrl.u32 s13, $0x3;
	[sflag:s5] =	ssyncset.done $0x0  }
0x21: {  	s31 =	sand.u32 $0x7, s13;
	s15 =	sadd.s32 s3, s30;
	[sflag:s5] =	ssyncadd.s32 $0xFFFFFFB0  }
0x22: {  	[hbm4b:s15+s31] =	stream.linear.scatter [tilespmem:s14], [sflag:$0x3], $0x50, $0x38;
	[tilespmem:$0x140] =	vst v63  }
.LBB2_5:
0x23: {  	s15 =	sadd.s32 $0xA00, s11  }
0x24: {  	p1 =	sgt.s32 s15, $0xF9F  }
0x25: {  	s15 =	smov.u32 @p1 s4;
	p1 =	sne.s32 s12, s9  }
.Ltmp1:
0x26: {  	p0 =	slt.u32 s12, $0x2;
	(pc) =	sbr.rel @!p1 .LBB2_6-.Ltmp1, $4  }
0x27: {  	s14 =	simm.s32 @!p0 $0x3  }
0x28: {  	_ =	swait.ge @!p0 [sflag:s14], $0x50  }
0x29: {  	s16 =	sadd.s32 $0x1, s12;
	s13 =	smov.u32 s11;
	[sflag:s14] =	ssyncset.done @!p0 $0x0  }
0x2a: {  	s12 =	smov.u32 s16;
	s11 =	smov.u32 s15;
	[sflag:s14] =	ssyncadd.s32 @!p0 $0xFFFFFFB0  }
.LBB2_1:
0x2b: {  	p0 =	sge.u32 s12, s7  }
0x2c: {  	s14 =	sxor.u32 @!p0 $0x1, s12  }
0x2d: {  	s14 =	smul.u32 @!p0 $0x140, s14  }
0x2e: {  	s31 =	sadd.s32 $0xFFFFFFFF, s12;
	s15 =	sshrl.u32 @!p0 s11, $0x3  }
0x2f: {  	s16 =	sand.u32 @!p0 $0x7, s11;
	s15 =	sadd.s32 @!p0 s2, s15;
	s14 =	sshra.s32 @!p0 s14, $0x2  }
0x30: {  	[tilespmem:s14], [sflag:$0x2] =	stream.linear.gather @!p0 [hbm4b:s15+s16], $0x50, $0x38;
	[tilespmem:$0x140] =	vst v63  }
0x31: {  	p0 =	sge.u32 s31, s7  }
.Ltmp2:
0x32: {  	_ = 	snop;
	(pc) =	sbr.rel @p0 .LBB2_5-.Ltmp2, $1  }
0x33: {  	_ =	sdelay $0x3  }
0x34: {  	s14 =	sand.u32 $0x1, s12  }
0x35: {  	_ =	swait.ge [sflag:s6], $0x50;
	p0 =	seq.s32 s14, $0x1;
	s14 =	simm.s32 $0x50  }
0x36: {  	[sflag:s6] =	ssyncset.done $0x0;
	s14 =	simm.s32 @!p0 $0x0  }
0x37: {  	[sflag:s6] =	ssyncadd.s32 $0xFFFFFFB0;
	(ifvalue) =	ssetifvalue $0x7FFFFFFF;
	v0 =	vld.msk [tilespmem:s14+$0x0 ss:$0x1], $0xffff  }
0x38: {  	s15 =	sadd.s32 $0x10, s14  }
0x39: {  	v1 =	vld.msk [tilespmem:s15+$0x0 ss:$0x1], $0xffff;
	_ =	sdelay $0x2  }
0x3a: {  	v2 =	vshrl.u32 v0, $0x2  }
0x3b: {  	vm1 =	veq.s32 v0, $0x80000000;
	v0 =	vand.u32 $0x3, v0;
	v2 =	vand.u32 $0x3FFF, v2  }
0x3c: {  	v0 =	vsel vm1, $0xFFFFFFFF, v0;
	v6 =	vshrl.u32 v1, $0x2;
	v2 =	vsel vm1, $0xFFFFFFFF, v2  }
0x3d: {  	v3 =	vshrl.u32 v0, $0x2;
	v0 =	vshll.u32 v0, $0x7;
	vm1 =	veq.s32 v1, $0x80000000  }
0x3e: {  	s15 =	sadd.s32 $0x10, s15;
	v1 =	vand.u32 $0x3, v1;
	v4 =	vshll.u32 v2, $0x2;
	v3 =	vmul.u32 $0xFA00, v3  }
0x3f: {  	v0 =	vand.u32 $0x180, v0;
	v7 =	vand.u32 $0x7F, v2;
	v5 =	vand.u32 $0xFFFFFE00, v4;
	v4 =	vld.msk [tilespmem:s15+$0x0 ss:$0x1], $0xffff  }
0x40: {  	v1 =	vsel vm1, $0xFFFFFFFF, v1;
	v2 =	vadd.s32 v3, v5;
	v3 =	vand.u32 $0x3FFF, v6  }
0x41: {  	v3 =	vsel vm1, $0xFFFFFFFF, v3;
	v0 =	vor.u32 v0, v2;
	v2 =	vshrl.u32 v1, $0x2  }
0x42: {  	v1 =	vshll.u32 v1, $0x7;
	v5 =	vshll.u32 v3, $0x2;
	v8 =	vmul.u32 $0xFA00, v2  }
0x43: {  	s18 =	simm.s32 $0x30;
	s14 =	sor.u32 $0xA0, s14;
	s17 =	sadd.s32 $0x10, s15;
	v2 =	vand.u32 $0x180, v1;
	v0 =	vor.u32 v7, v0;
	v5 =	vand.u32 $0xFFFFFE00, v5  }
0x44: {  	s16 =	smov.u32 s14;
	s15 =	smov.u32 s14;
	v1 =	vld.msk [tilespmem:s17+$0x0 ss:$0x1], $0xffff;
	v3 =	vand.u32 $0x7F, v3;
	(ifvalue) =	ssetifvalue $0x7FFFFFFF;
	v6 =	vshrl.u32 v4, $0x2;
	v5 =	vadd.s32 v8, v5  }
.LBB2_3:
0x45: {  	s18 =	sadd.s32 $0x10, s18  }
0x46: {  	vm1 =	veq.s32 v4, $0x80000000;
	v4 =	vand.u32 $0x3, v4;
	v6 =	vand.u32 $0x3FFF, v6;
	s15 =	sadd.s32 $0x10, s15;
	p0 =	slt.u32 s18, $0x40  }
.Ltmp3:
0x47: {  	v5 =	vor.u32 v2, v5;
	v4 =	vsel vm1, $0xFFFFFFFF, v4;
	v7 =	vsel vm1, $0xFFFFFFFF, v6;
	(pc) =	sbr.rel @p0 .LBB2_3-.Ltmp3, $4  }
0x48: {  	v2 =	vshrl.u32 v4, $0x2;
	v6 =	vshll.u32 v7, $0x2;
	v4 =	vshll.u32 v4, $0x7;
	[tilespmem:s16], [sflag:$0x1] =	stream.indirect_vreg.gather [hbm4b:s8+s10], $0x1, v0, vm0, $0x4038;
	[tilespmem:$0x140] =	vst v63  }
0x49: {  	v0 =	vor.u32 v3, v5;
	s16 =	smov.u32 s15;
	v8 =	vmul.u32 $0xFA00, v2;
	v2 =	vand.u32 $0x180, v4  }
0x4a: {  	s17 =	sadd.s32 $0x10, s17;
	v9 =	vand.u32 $0xFFFFFE00, v6  }
0x4b: {  	v3 =	vand.u32 $0x7F, v7;
	v6 =	vshrl.u32 v1, $0x2;
	v5 =	vadd.s32 v8, v9;
	(ifvalue) =	ssetifvalue $0x7FFFFFFF;
	v4 =	vmovc v1;
	v1 =	vld.msk [tilespmem:s17+$0x0 ss:$0x1], $0xffff  }
.Ltmp4:
0x4c: {  	_ = 	snop;
	(pc) =	sbr.rel .LBB2_4-.Ltmp4, $1  }
0x4d: {  	_ =	sdelay $0x3  }
.LBB2_6:
0x4e: {  	_ =	sfence.sel $0x180000  }
0x4f: {  	s2 =	simm.s32 $0x2;
	[bflag:$0x0] =	sbarrier.arrive $0xFFFF  }
0x50: {  	s30 =	simm.s32 $0x3;
	[sflag:s2] =	ssyncpa.u1 $0x1  }
0x51: {  	s31 =	simm.s32 $0x1;
	[sflag:s30] =	ssyncpa.u1 $0x1  }
0x52: {  	[sflag:s31] =	ssyncpa.u1 $0x1  }
0x53: {  	p0 =	sne.s32 s0, $0x0;
	_ =	strace $0x90000047  }
0x54: {  	s0 =	sadd.s32 @!p0 $0x100000, s1;
	[bflag:$0x2] =	sbarrier.arrive $0xFFFF  }
0x55: {  	[sflag:s0] =	ssyncadd.tile.s32 @!p0 $0x1;
	_ =	shalt  }
.Lfunc_end2:
_tile_overlayer_lowered:
.L_overlay_start_2:
0x56: {  	(tag) =	ssettag $0x2  }
0x57: {  	s0 =	rddreg [dreg:$0x0];
	s2 =	stileid.u32  }
0x58: {  	s1 =	rddreg [dreg:$0x1];
	p0 =	sne.s32 s2, $0x0  }
0x59: {  	s3 =	rddreg [dreg:$0x2];
	[bflag:$0x3] =	sbarrier.arrive $0xFFFF;
	s2 =	simm.s32 @!p0 $0x1C01  }
0x5a: {  	[timem:s3], [sflag:s2] =	dma.local @!p0 [hbm:s0], s1  }
0x5b: {  	s0 =	simm.s32 @!p0 $0x1  }
0x5c: {  	_ =	swait.ge @!p0 [sflag:s0], s1  }
0x5d: {  	s1 =	ssub.s32 @!p0 $0x0, s1;
	[sflag:s0] =	ssyncset.done @!p0 $0x0  }
0x5e: {  	[sflag:s0] =	ssyncadd.s32 @!p0 s1  }
0x5f: {  	[bflag:$0x3] =	sbarrier.arrive $0xFFFF  }
0x60: {  	_ =	shalt  }

// kernel: kernel.5.cloned.1.call-start
scs
__scs_entry_jumppad:
0x0: {  	(pc) =	sbr.rel $0x88, $3  }
0x1: {  	(tag) =	ssettag $0x0;
	lr =	simm.s32 $0x1  }
0x2: {  	[smem:$0x3FA0] =	sst lr;
	_ =	strace $0xD0000000  }
0x3: {  	_ = 	snop  }
0x4: {  	_ = 	snop  }
0x5: {  	_ = 	snop  }
0x6: {  	_ = 	snop  }
0x7: {  	_ = 	snop  }
__scs_overlays_trampoline_lowered:
0x8: {  	[smem:$0x3FAF] =	sst s0  }
0x9: {  	[smem:$0x3FB0] =	sst s1  }
0xa: {  	[smem:$0x3FB1] =	sst s2  }
0xb: {  	[smem:$0x3FB2] =	sst s3  }
0xc: {  	[smem:$0x3FB3] =	sst s4  }
0xd: {  	[smem:$0x3FB4] =	sst s5  }
0xe: {  	[smem:$0x3FB5] =	sst s6  }
0xf: {  	[smem:$0x3FB6] =	sst s7  }
0x10: {  	[smem:$0x3FB7] =	sst s8  }
0x11: {  	[smem:$0x3FB8] =	sst s9;
	s0 =	simm.s32 @!p0 $0x0  }
0x12: {  	s1 =	sld [smem:$0x3F9E];
	s0 =	simm.s32 @p0 $0x1  }
0x13: {  	[smem:$0x3FB9] =	sst s0;
	s0 =	simm.s32 @!p1 $0x0  }
0x14: {  	s2 =	sld [smem:$0x3F9D];
	s0 =	simm.s32 @p1 $0x1  }
0x15: {  	[smem:$0x3FBA] =	sst s0;
	s0 =	simm.s32 @!p2 $0x0  }
0x16: {  	s3 =	sld [smem:$0x3FDB];
	s0 =	simm.s32 @p2 $0x1  }
0x17: {  	s4 =	simm.s32 $0x1BF5;
	[smem:$0x3FBC] =	sst s0  }
0x18: {  	s0 =	sld [smem:$0x3F9F];
	_ =	swait.ge [sflag:s4], $0x0  }
0x19: {  	s7 =	sld [smem:$0x3FA0]  }
0x1a: {  	s8 =	sadd.s32 $0xFFFFE003, lr  }
0x1b: {  	s9 =	sadd.s32 $0xFFFFFEF7, lr;
	s5 =	simm.s32 $0xFFFFFFFF;
	p2 =	slt.u32 s8, $0xFFFFF086  }
0x1c: {  	p1 =	slt.u32 s9, $0xF7A;
	s5 =	simm.s32 @!p2 $0x0  }
0x1d: {  	s5 =	simm.s32 @p1 $0x1;
	p0 =	seq.s32 s7, s2  }
0x1e: {  	s7 =	smul.u32 @!p0 $0xF7A, s2;
	p2 =	seq.s32 @!p0 s5, $0x0  }
0x1f: {  	s9 =	smul.u32 $0xF7A, s1;
	s8 =	simm.s32 @!p0 $0x1BF5;
	p2 =	por !p2, p0  }
0x20: {  	[sflag:s8] =	ssyncset.s32 @!p0 $0xFFFFF086;
	s6 =	sadd.s32 @!p0 s3, s7;
	s7 =	simm.s32 @!p0 $0x108  }
0x21: {  	s3 =	sadd.s32 s3, s9;
	s6 =	sadd.s32 @!p0 $0x88, s6;
	s7 =	simm.s32 @p2 $0x1082  }
0x22: {  	[simem:s7], [sflag:s8] =	dma.local @!p0 [hbm:s6], $0xF7A  }
0x23: {  	s9 =	sor.u32 $0xD0000000, s2;
	s6 =	simm.s32 $0x108;
	_ =	swait.ge @!p0 [sflag:s8], $0x0  }
0x24: {  	s3 =	sadd.s32 $0x88, s3;
	s6 =	simm.s32 @!p1 $0x1082;
	[sflag:s4] =	ssyncset.s32 $0xFFFFF086  }
0x25: {  	[simem:s6], [sflag:s4] =	dma.local [hbm:s3], $0xF7A  }
0x26: {  	[smem:$0x3FA0] =	sst s1;
	(tag) =	ssettag s2;
	_ =	strace s9  }
0x27: {  	s1 =	sld [smem:$0x3FB0]  }
0x28: {  	s2 =	sld [smem:$0x3FB1]  }
0x29: {  	s4 =	sld [smem:$0x3FB3]  }
0x2a: {  	p0 =	seq.s32 s5, $0x0;
	s5 =	sld [smem:$0x3FB4]  }
0x2b: {  	s6 =	sld [smem:$0x3FB5]  }
0x2c: {  	s7 =	sld [smem:$0x3FB6]  }
0x2d: {  	s3 =	simm.s32 $0x108;
	s8 =	sld [smem:$0x3FB7]  }
0x2e: {  	s3 =	simm.s32 @!p0 $0x1082;
	s9 =	sld [smem:$0x3FB8]  }
0x2f: {  	lr =	sadd.s32 s0, s3;
	s0 =	sld [smem:$0x3FAF]  }
0x30: {  	s3 =	sld [smem:$0x3FB2]  }
0x31: {  	[smem:$0x3FBB] =	sst s10  }
0x32: {  	s10 =	sld [smem:$0x3FB9];
	_ =	sdelay $0x3  }
0x33: {  	p0 =	seq.s32 s10, $0x1;
	s10 =	sld [smem:$0x3FBB];
	_ =	sdelay $0x3  }
0x34: {  	[smem:$0x3FBB] =	sst s10  }
0x35: {  	s10 =	sld [smem:$0x3FBA];
	_ =	sdelay $0x3  }
0x36: {  	p1 =	seq.s32 s10, $0x1;
	s10 =	sld [smem:$0x3FBB];
	_ =	sdelay $0x3  }
0x37: {  	[smem:$0x3FBB] =	sst s10  }
0x38: {  	s10 =	sld [smem:$0x3FBC]  }
0x39: {  	_ = 	snop;
	(pc) =	sbr.ind lr, $3  }
0x3a: {  	_ = 	snop  }
0x3b: {  	_ = 	snop  }
0x3c: {  	p2 =	seq.s32 s10, $0x1;
	s10 =	sld [smem:$0x3FBB]  }
0x3d: {  	_ =	shalt  }
0x3e: {  	_ =	shalt  }
0x3f: {  	_ =	shalt  }
0x40: {  	_ =	shalt  }
0x41: {  	_ =	shalt  }
0x42: {  	_ =	shalt  }
0x43: {  	_ =	shalt  }
0x44: {  	_ =	shalt  }
0x45: {  	_ =	shalt  }
0x46: {  	_ =	shalt  }
0x47: {  	_ =	shalt  }
0x48: {  	_ =	shalt  }
0x49: {  	_ =	shalt  }
0x4a: {  	_ =	shalt  }
0x4b: {  	_ =	shalt  }
0x4c: {  	_ =	shalt  }
0x4d: {  	_ =	shalt  }
0x4e: {  	_ =	shalt  }
0x4f: {  	_ =	shalt  }
0x50: {  	_ =	shalt  }
0x51: {  	_ =	shalt  }
0x52: {  	_ =	shalt  }
0x53: {  	_ =	shalt  }
0x54: {  	_ =	shalt  }
0x55: {  	_ =	shalt  }
0x56: {  	_ =	shalt  }
0x57: {  	_ =	shalt  }
0x58: {  	_ =	shalt  }
0x59: {  	_ =	shalt  }
0x5a: {  	_ =	shalt  }
0x5b: {  	_ =	shalt  }
0x5c: {  	_ =	shalt  }
0x5d: {  	_ =	shalt  }
0x5e: {  	_ =	shalt  }
0x5f: {  	_ =	shalt  }
0x60: {  	_ =	shalt  }
0x61: {  	_ =	shalt  }
0x62: {  	_ =	shalt  }
0x63: {  	_ =	shalt  }
0x64: {  	_ =	shalt  }
0x65: {  	_ =	shalt  }
0x66: {  	_ =	shalt  }
0x67: {  	_ =	shalt  }
0x68: {  	_ =	shalt  }
0x69: {  	_ =	shalt  }
0x6a: {  	_ =	shalt  }
0x6b: {  	_ =	shalt  }
0x6c: {  	_ =	shalt  }
0x6d: {  	_ =	shalt  }
0x6e: {  	_ =	shalt  }
0x6f: {  	_ =	shalt  }
0x70: {  	_ =	shalt  }
0x71: {  	_ =	shalt  }
0x72: {  	_ =	shalt  }
0x73: {  	_ =	shalt  }
0x74: {  	_ =	shalt  }
0x75: {  	_ =	shalt  }
0x76: {  	_ =	shalt  }
0x77: {  	_ =	shalt  }
0x78: {  	_ =	shalt  }
0x79: {  	_ =	shalt  }
0x7a: {  	_ =	shalt  }
0x7b: {  	_ =	shalt  }
0x7c: {  	_ =	shalt  }
0x7d: {  	_ =	shalt  }
0x7e: {  	_ =	shalt  }
0x7f: {  	_ =	shalt  }
0x80: {  	_ =	shalt  }
0x81: {  	_ =	shalt  }
0x82: {  	_ =	shalt  }
0x83: {  	_ =	shalt  }
0x84: {  	_ =	shalt  }
0x85: {  	_ =	shalt  }
0x86: {  	_ =	shalt  }
0x87: {  	_ =	shalt  }
.Lfunc_end0:
.L_simem_size_0:
called_computation.1_lowered:
.L_overlay_start_0:
0x88: {  	s2 =	sld [smem:$0x3FD9]  }
0x89: {  	s3 =	sld [smem:$0x3FFE];
	_ =	sdelay $0x1  }
0x8a: {  	s1 =	srdreg.scid  }
0x8b: {  	s0 =	sand.u32 $0x1, s1  }
0x8c: {  	s14 =	sshll.u32 s0, $0xA;
	s2 =	sadd.s32 s3, s2  }
0x8d: {  	s2 =	sadd.s32 s2, s14  }
0x8e: {  	[smem:$0x3FC7] =	sst s2  }
0x8f: {  	_ = 	snop  }
0x90: {  	s2 =	sld [smem:$0x3FD0];
	_ =	sdelay $0x2  }
0x91: {  	s15 =	simm.s32 $0xA;
	s4 =	simm.s32 $0x10  }
0x92: {  	[smem:s4], [sflag:s15] =	dma.local [hbm:s2], $0x1  }
0x93: {  	_ =	swait.eq [sflag:s15], $0x1  }
0x94: {  	[sflag:s15] =	ssyncset.done $0x0  }
0x95: {  	[sflag:s15] =	ssyncadd.s32 $0xFFFFFFFF  }
0x96: {  	s16 =	sld [smem:$0x11];
	(tm) =	ssettm $0x1  }
0x97: {  	s17 =	sld [smem:$0x3FFB];
	_ =	sdelay $0x3  }
0x98: {  	_ =	strace s17  }
0x99: {  	s3 =	sld [smem:$0x3FFC];
	_ =	sdelay $0x3  }
0x9a: {  	_ =	strace s3  }
0x9b: {  	s3 =	sld [smem:$0x3FFD];
	_ =	sdelay $0x3  }
0x9c: {  	_ =	strace s3  }
0x9d: {  	_ =	strace $0x8FFFFFFF  }
0x9e: {  	s18 =	sld [smem:$0x3FDB];
	_ =	sdelay $0x1  }
0x9f: {  	s19 =	simm.s32 $_scs_section_size  }
0xa0: {  	s5 =	simm.s32 $_size__tile_overlayer_lowered;
	s6 =	simm.s32 $_tile_overlayer_lowered  }
0xa1: {  	s22 =	simm.s32 $0x1BFF;
	s21 =	sshll.u32 s6, $0x1;
	s3 =	sadd.s32 s19, s18  }
0xa2: {  	s7 =	simm.s32 $0x0;
	s20 =	sshll.u32 s5, $0x1;
	s5 =	sadd.s32 s21, s3  }
0xa3: {  	[timem:s7], [sflag:s22] =	dma.local [hbm:s5], s20  }
0xa4: {  	_ =	swait.ge [sflag:s22], s20  }
0xa5: {  	s4 =	ssub.s32 $0x0, s20;
	[sflag:s22] =	ssyncset.done $0x0  }
0xa6: {  	[sflag:s22] =	ssyncadd.s32 s4;
	_ =	sdelay $0x1  }
0xa7: {  	s23 =	simm.s32 $0x1B8B  }
0xa8: {  	_ =	swait.ge [sflag:s23], $0x1  }
0xa9: {  	[sflag:s23] =	ssyncset.done $0x0  }
0xaa: {  	s25 =	simm.s32 $0x1B8E;
	s24 =	sld [smem:$0x3FFE];
	[sflag:s23] =	ssyncadd.s32 $0xFFFFFFFF  }
0xab: {  	s26 =	simm.s32 $execute0_lowered;
	[smem:$0x3FD2] =	sst s25  }
0xac: {  	s5 =	sshll.u32 s26, $0x1;
	_ =	strace $0x80000049;
	[dreg:$0x1] =	wrdreg $0xFFFFFFFF  }
0xad: {  	s28 =	simm.s32 $_size_execute0_lowered;
	s3 =	sadd.s32 s3, s5;
	[dreg:$0x0] =	wrdreg $0x0  }
0xae: {  	s5 =	sshll.u32 s28, $0x1;
	[dreg:$0x2] =	wrdreg s3  }
0xaf: {  	[dreg:$0x3] =	wrdreg s5  }
0xb0: {  	[dreg:$0x4] =	wrdreg $0xC0  }
0xb1: {  	_ =	task [dreg:s7], $0x5FFFF  }
0xb2: {  	[dreg:$0x1] =	wrdreg $0xFFFFFFFF  }
0xb3: {  	[dreg:$0x0] =	wrdreg $0x60  }
0xb4: {  	[dreg:$0x2] =	wrdreg s24  }
0xb5: {  	[dreg:$0x3] =	wrdreg s16  }
0xb6: {  	[dreg:$0x4] =	wrdreg $0x9  }
0xb7: {  	_ =	task.clear_ibuf [dreg:s7], $0x5FFFF;
	_ =	strace $0x90000049  }
0xb8: {  	s29 =	simm.s32 $0x9;
	_ =	strace $0x8000004B  }
0xb9: {  	_ =	swait.ge [sflag:s29], $0x1  }
0xba: {  	[sflag:s29] =	ssyncadd.s32 $0xFFFFFFFF  }
0xbb: {  	_ =	strace $0x9000004B  }
0xbc: {  	_ =	sfence  }
0xbd: {  	s30 =	sld [smem:$0x0];
	_ =	sdelay $0x2  }
0xbe: {  	s31 =	sshll.u32 s1, $0xD;
	s1 =	sshrl.u32 s1, $0x2  }
0xbf: {  	s3 =	sand.u32 $0x4000, s31;
	s1 =	sadd.s32 s1, s30  }
0xc0: {  	s0 =	sor.u32 s3, s0;
	s1 =	sshll.u32 s1, $0x11  }
0xc1: {  	s0 =	sor.u32 s1, s0  }
0xc2: {  	s0 =	sadd.s32 $0x8F2B, s0  }
0xc3: {  	[sflag:s0] =	ssyncadd.remote.s32 $0x1  }
0xc4: {  	_ =	sfence.sel $0xFFFF  }
0xc5: {  	[dreg:$0x0] =	wrdreg $0xFFFFFFFF;
	(pc) =	sbr.abs _section_cstart, $3  }
0xc6: {  	[dreg:$0x1] =	wrdreg $0xFFFFFFFF  }
0xc7: {  	_ =	task.clear_ibuf [dreg:s7], $0x2FFFF;
	_ =	strace $0x9FFFFFFF  }
0xc8: {  	(tm) =	ssettm $0x7FFFFFFF  }
0xc9: {  	_ =	shalt  }
tec
execute0_lowered:
.L_overlay_start_1:
0x0: {  	(tag) =	ssettag $0x1  }
0x1: {  	s1 =	srdreg.scid;
	s8 =	rddreg [dreg:$0x0]  }
0x2: {  	s0 =	stileid.u32;
	s3 =	rddreg [dreg:$0x1];
	s6 =	sand.u32 $0x1, s1  }
0x3: {  	s2 =	simm.s32 $0x0;
	s4 =	sshll.u32 s0, $0x8;
	s5 =	sshll.u32 s6, $0x7  }
0x4: {  	[smem:$0x7FF] =	sst s2;
	s9 =	sor.u32 s5, s4  }
0x5: {  	s1 =	rddreg [dreg:$0x2];
	_ =	strace $0x8000004A;
	s4 =	sshrl.u32 s9, $0x3  }
0x6: {  	s10 =	ssub.s32 $0x2, s6;
	s4 =	sadd.s32 s3, s4;
	s3 =	simm.s32 $0x2  }
0x7: {  	[tilespmem:s2], [sflag:$0x2] =	stream.linear.gather [hbm4b:s4+s2], $0x80, $0x38;
	[tilespmem:$0x4080] =	vst v63  }
0x8: {  	s7 =	simm.s32 $0x1;
	s11 =	sshrl.u32 s10, $0x1;
	_ =	swait.ge [sflag:s3], $0x80  }
0x9: {  	s6 =	simm.s32 $0x80;
	s10 =	ssub.s32 s10, s11;
	[sflag:s3] =	ssyncset.done $0x0  }
0xa: {  	s5 =	sadd.s32 $0x1006000, s8;
	s31 =	smax.u32 s10, $0x1;
	[sflag:s3] =	ssyncadd.s32 $0xFFFFFF80  }
0xb: {  	[tilespmem:s6], [sflag:$0x1] =	stream.indirect.gather [hbm4b:s5+s6], $0x80, s2, s6, $0xb8;
	[tilespmem:$0x4080] =	vst v63  }
0xc: {  	p0 =	sne.s32 s31, $0x1;
	_ =	swait.ge [sflag:s7], $0x4000  }
.Ltmp0:
0xd: {  	s9 =	sshll.u32 s9, $0x4;
	[sflag:s7] =	ssyncset.done $0x0;
	(pc) =	sbr.rel @!p0 .LBB2_2-.Ltmp0, $4  }
0xe: {  	s8 =	sadd.s32 s8, s9;
	[sflag:s7] =	ssyncadd.s32 $0xFFFFC000  }
0xf: {  	[hbm4b:s8+s2] =	stream.linear.scatter [tilespmem:s6], [sflag:$0x2], $0x4000, $0x38;
	[tilespmem:$0x4080] =	vst v63  }
0x10: {  	_ =	swait.ge [sflag:s3], $0x4000  }
0x11: {  	s9 =	sadd.s32 $0xFFFFFFFF, s31;
	[sflag:s3] =	ssyncset.done $0x0  }
.LBB2_1:
0x12: {  	p0 =	sne.s32 s9, $0x1;
	s9 =	sadd.s32 $0xFFFFFFFF, s9;
	[sflag:s3] =	ssyncadd.s32 $0xFFFFC000  }
0x13: {  	[tilespmem:s2], [sflag:$0x2] =	stream.linear.gather [hbm4b:s4+s2], $0x80, $0x38;
	[tilespmem:$0x4080] =	vst v63  }
0x14: {  	_ =	swait.ge [sflag:s3], $0x80  }
0x15: {  	[sflag:s3] =	ssyncset.done $0x0  }
0x16: {  	[sflag:s3] =	ssyncadd.s32 $0xFFFFFF80  }
0x17: {  	[tilespmem:s6], [sflag:$0x1] =	stream.indirect.gather [hbm4b:s5+s6], $0x80, s2, s6, $0xb8;
	[tilespmem:$0x4080] =	vst v63  }
0x18: {  	_ =	swait.ge [sflag:s7], $0x4000  }
.Ltmp1:
0x19: {  	[sflag:s7] =	ssyncset.done $0x0;
	(pc) =	sbr.rel @p0 .LBB2_1-.Ltmp1, $4  }
0x1a: {  	[sflag:s7] =	ssyncadd.s32 $0xFFFFC000  }
0x1b: {  	[hbm4b:s8+s2] =	stream.linear.scatter [tilespmem:s6], [sflag:$0x2], $0x4000, $0x38;
	[tilespmem:$0x4080] =	vst v63  }
0x1c: {  	_ =	swait.ge [sflag:s3], $0x4000  }
0x1d: {  	[sflag:s3] =	ssyncset.done $0x0  }
.LBB2_2:
0x1e: {  	[sflag:s3] =	ssyncadd.s32 $0xFFFFC000  }
0x1f: {  	_ =	sfence.sel $0x180000  }
0x20: {  	[bflag:$0x0] =	sbarrier.arrive $0xFFFF  }
0x21: {  	p0 =	sne.s32 s0, $0x0;
	_ =	strace $0x9000004A  }
0x22: {  	s0 =	sadd.s32 @!p0 $0x100000, s1;
	[bflag:$0x2] =	sbarrier.arrive $0xFFFF  }
0x23: {  	[sflag:s0] =	ssyncadd.tile.s32 @!p0 $0x1;
	_ =	shalt  }
.Lfunc_end2:
_tile_overlayer_lowered:
.L_overlay_start_2:
0x24: {  	(tag) =	ssettag $0x2  }
0x25: {  	s0 =	rddreg [dreg:$0x0];
	s2 =	stileid.u32  }
0x26: {  	s1 =	rddreg [dreg:$0x1];
	p0 =	sne.s32 s2, $0x0  }
0x27: {  	s3 =	rddreg [dreg:$0x2];
	[bflag:$0x3] =	sbarrier.arrive $0xFFFF;
	s2 =	simm.s32 @!p0 $0x1C02  }
0x28: {  	[timem:s3], [sflag:s2] =	dma.local @!p0 [hbm:s0], s1  }
0x29: {  	s0 =	simm.s32 @!p0 $0x2  }
0x2a: {  	_ =	swait.ge @!p0 [sflag:s0], s1  }
0x2b: {  	s1 =	ssub.s32 @!p0 $0x0, s1;
	[sflag:s0] =	ssyncset.done @!p0 $0x0  }
0x2c: {  	[sflag:s0] =	ssyncadd.s32 @!p0 s1  }
0x2d: {  	[bflag:$0x3] =	sbarrier.arrive $0xFFFF  }
0x2e: {  	_ =	shalt  }

</sc_bundles>
